<compile_context>
chip_gen: v7x
topology: tpu7x:2x2x1
jax: 0.10.2.dev20260603
libtpu: 0.0.44.dev20260713+nightly
codegen_flags: <defaults>
</compile_context>

<pallas_src>
import functools

import jax
import jax.numpy as jnp
from jax import lax
from jax.experimental import pallas as pl
from jax.experimental.pallas import tpu as pltpu
from jax.experimental.pallas import tpu_sc as plsc



_CHUNK = 128
_NBUF = 5


def _sc_gather_body(n_chunks, idx_hbm, table_hbm, out_hbm, idx_v, rows_v,
                    gsems):
    nc = plsc.get_sparse_core_info().num_subcores
    w = lax.axis_index("c") * nc + lax.axis_index("s")
    per_w = n_chunks * _CHUNK
    pltpu.sync_copy(idx_hbm.at[w], idx_v)

    def gather_start(j, b):
        pltpu.async_copy(table_hbm.at[idx_v.at[j]], rows_v.at[b], gsems.at[b])

    def gather_wait(j, b):
        pltpu.make_async_copy(table_hbm.at[idx_v.at[j]], rows_v.at[b],
                              gsems.at[b]).wait()

    for b in range(_NBUF):
        gather_start(b, b)

    def body(i0, carry):
        for b in range(_NBUF):
            j = i0 + b
            gather_wait(j, b)
            pltpu.sync_copy(rows_v.at[b],
                            out_hbm.at[pl.ds(w * per_w + j * _CHUNK, _CHUNK)])
            nxt = j + _NBUF

            @pl.when(nxt < n_chunks)
            def _():
                gather_start(nxt, b)
        return carry

    lax.fori_loop(0, n_chunks // _NBUF, lambda i, c: body(i * _NBUF, c), 0,
                  unroll=False)


def _sc_gather(idx_flat, table):
    n = idx_flat.shape[0]
    e = table.shape[1]
    info = plsc.get_sparse_core_info()
    nw = info.num_cores * info.num_subcores
    n_chunks = n // (nw * _CHUNK)
    idx_r = idx_flat.reshape(nw, n_chunks, _CHUNK)
    mesh = plsc.VectorSubcoreMesh(core_axis_name="c", subcore_axis_name="s")
    fn = pl.kernel(
        functools.partial(_sc_gather_body, n_chunks),
        out_type=jax.ShapeDtypeStruct((n, e), jnp.float32),
        mesh=mesh,
        scratch_types=[
            pltpu.VMEM((n_chunks, _CHUNK), jnp.int32),
            pltpu.VMEM((_NBUF, _CHUNK, e), jnp.float32),
            pltpu.SemaphoreType.DMA((_NBUF,)),
        ],
        compiler_params=pltpu.CompilerParams(use_tc_tiling_on_sc=False),
    )
    return fn(idx_r, table)




def _gru_body(n_steps, e2, emb_ref, wih_ref, whh_ref, bih_ref, bhh_ref,
              out_ref, h_ref):
    t = pl.program_id(0)

    @pl.when(t == 0)
    def _init():
        h_ref[...] = jnp.zeros_like(h_ref)

    x = emb_ref[0]
    h = h_ref[...]
    gi = jnp.dot(x, wih_ref[...],
                 preferred_element_type=jnp.float32) + bih_ref[...]
    gh = jnp.dot(h, whh_ref[...],
                 preferred_element_type=jnp.float32) + bhh_ref[...]
    r = jax.nn.sigmoid(gi[:, 0:e2] + gh[:, 0:e2])
    z = jax.nn.sigmoid(gi[:, e2:2 * e2] + gh[:, e2:2 * e2])
    nn = jnp.tanh(gi[:, 2 * e2:3 * e2] + r * gh[:, 2 * e2:3 * e2])
    hn = (1.0 - z) * nn + z * h
    h_ref[...] = hn

    @pl.when(t == n_steps - 1)
    def _out():
        out_ref[...] = hn


def _pair_block_weights(w, e):
    wt = w.T
    eye2 = jnp.eye(2, dtype=w.dtype)
    blocks = [jnp.kron(eye2, wt[:, g * e:(g + 1) * e]) for g in range(3)]
    return jnp.concatenate(blocks, axis=1)


def _pair_bias(b, e):
    return jnp.concatenate(
        [jnp.tile(b[g * e:(g + 1) * e], 2) for g in range(3)]).reshape(1, -1)


def _gru_tc(emb2, w_ih, w_hh, b_ih, b_hh, e):
    seq_len, half_b, e2 = emb2.shape
    g2 = 6 * e
    wb_ih = _pair_block_weights(w_ih, e)
    wb_hh = _pair_block_weights(w_hh, e)
    bb_ih = _pair_bias(b_ih, e)
    bb_hh = _pair_bias(b_hh, e)
    out = pl.pallas_call(
        functools.partial(_gru_body, seq_len, e2),
        grid=(seq_len,),
        in_specs=[
            pl.BlockSpec((1, half_b, e2), lambda t: (t, 0, 0)),
            pl.BlockSpec((e2, g2), lambda t: (0, 0)),
            pl.BlockSpec((e2, g2), lambda t: (0, 0)),
            pl.BlockSpec((1, g2), lambda t: (0, 0)),
            pl.BlockSpec((1, g2), lambda t: (0, 0)),
        ],
        out_specs=pl.BlockSpec((half_b, e2), lambda t: (0, 0)),
        out_shape=jax.ShapeDtypeStruct((half_b, e2), jnp.float32),
        scratch_shapes=[pltpu.VMEM((half_b, e2), jnp.float32)],
        compiler_params=pltpu.CompilerParams(
            dimension_semantics=("arbitrary",)),
    )(emb2, wb_ih, wb_hh, bb_ih, bb_hh)
    return out


def kernel(seq_items, emb_table, W_ih, W_hh, b_ih, b_hh):
    batch, seq_len = seq_items.shape
    e = emb_table.shape[1]
    idx_flat = seq_items.astype(jnp.int32).T.reshape(-1)
    gathered = _sc_gather(idx_flat, emb_table)
    emb2 = gathered.reshape(seq_len, batch // 2, 2 * e)
    h2 = _gru_tc(emb2, W_ih, W_hh, b_ih, b_hh, e)
    return h2.reshape(batch, e)

# --- scband reference (transcript-rebuilt; emitter-appended) ---
"""Pipeline reference for scband-behavior-tower-baseline-69071664054515 (READ-ONLY COPY).

The authoritative reference and input builder live on the scoring server;
editing this copy changes nothing except your own understanding.
"""

import jax, jax.numpy as jnp
import numpy as np

NUM_ITEMS = 1000000
EMB = 64
B = 4096
L = 50


def setup_inputs(seed: int = 0) -> dict:
    key = jax.random.key(seed)
    ks = jax.random.split(key, 6)
    seq_items = jax.random.randint(ks[0], (B, L), 0, NUM_ITEMS)
    emb_table = jax.random.normal(ks[1], (NUM_ITEMS, EMB), dtype=jnp.float32) * 0.02
    s = 1.0 / np.sqrt(EMB)
    W_ih = jax.random.uniform(ks[2], (3 * EMB, EMB), minval=-s, maxval=s, dtype=jnp.float32)
    W_hh = jax.random.uniform(ks[3], (3 * EMB, EMB), minval=-s, maxval=s, dtype=jnp.float32)
    b_ih = jax.random.uniform(ks[4], (3 * EMB,), minval=-s, maxval=s, dtype=jnp.float32)
    b_hh = jax.random.uniform(ks[5], (3 * EMB,), minval=-s, maxval=s, dtype=jnp.float32)
    return {"seq_items": seq_items, "emb_table": emb_table, "W_ih": W_ih, "W_hh": W_hh, "b_ih": b_ih, "b_hh": b_hh}


def reference(seq_items, emb_table, W_ih, W_hh, b_ih, b_hh):
    # Embedding lookup: item_emb(seq_items) -> [B, L, E]
    emb = jnp.take(emb_table, seq_items, axis=0)

    # PyTorch GRU, single layer, batch_first, h0 = zeros.
    # Gate order in weight matrices: r, z, n.
    def step(h, x_t):
        gi = x_t @ W_ih.T + b_ih
        gh = h @ W_hh.T + b_hh
        i_r, i_z, i_n = jnp.split(gi, 3, axis=-1)
        h_r, h_z, h_n = jnp.split(gh, 3, axis=-1)
        r = jax.nn.sigmoid(i_r + h_r)
        z = jax.nn.sigmoid(i_z + h_z)
        n = jnp.tanh(i_n + r * h_n)
        h_new = (1.0 - z) * n + z * h
        return h_new, None

    h0 = jnp.zeros((emb.shape[0], EMB), dtype=emb.dtype)
    xs = jnp.swapaxes(emb, 0, 1)  # [L, B, E]
    h_final, _ = jax.lax.scan(step, h0, xs)
    # h.squeeze(0) in torch -> final hidden state [B, E]
    return h_final

if __name__ == "__main__":
    import jax
    _d = setup_inputs()
    print(jax.jit(kernel)(*tuple(_d.values())))

</pallas_src>

<mosaic_0001>
#map = affine_map<(d0, d1) -> (0, 0, 0)>
#map1 = affine_map<(d0, d1) -> (0, 0)>
module attributes {stable_mosaic.version = 14 : i64} {
  func.func @_sc_gather_body(%arg0: i32, %arg1: i32, %arg2: memref<32x50x128xi32, #tpu.memory_space<hbm>>, %arg3: memref<1000000x64xf32, #tpu.memory_space<hbm>>, %arg4: memref<204800x64xf32, #tpu.memory_space<hbm>>, %arg5: memref<50x128xi32, #tpu.memory_space<vmem>>, %arg6: memref<5x128x64xf32, #tpu.memory_space<vmem>>, %arg7: memref<5x!tpu.dma_semaphore, #tpu.memory_space<semaphore_mem>>) attributes {dimension_semantics = [#tpu.dimension_semantics<core_parallel>, #tpu.dimension_semantics<subcore_parallel>], iteration_bounds = array<i64: 2, 16>, scalar_prefetch = 0 : i64, scratch_operands = 3 : i64, tpu.core_type = #tpu.core_type<sc_vector_subcore>, window_params = [{transform_indices = #map}, {transform_indices = #map1}, {transform_indices = #map1}]} {
    %mul3A = arith.constant 16 : i32
    %mul3A_0 = arith.muli %arg0, %mul3A : i32
    %add3A = arith.addi %mul3A_0, %arg1 : i32
    "tpu.region"() ({
      %run_scoped3A = tpu.sem_alloc : memref<!tpu.dma_semaphore, #tpu.memory_space<semaphore_mem>>
      %dma_start3A_80 = arith.constant 0 : i32
      %dma_start3A_81 = arith.constant 0 : i32
      %dma_start3A_82 = tpu.memref_slice %arg2[%add3A, %dma_start3A_80, %dma_start3A_81] : memref<32x50x128xi32, #tpu.memory_space<hbm>> -> memref<1x50x128xi32, #tpu.memory_space<hbm>>
      %dma_start3A_83 = tpu.memref_squeeze %dma_start3A_82 : memref<1x50x128xi32, #tpu.memory_space<hbm>> -> memref<50x128xi32, #tpu.memory_space<hbm>>
      %dma_start3A_84 = arith.constant 0 : i32
      %dma_start3A_85 = arith.constant 0 : i32
      %dma_start3A_86 = tpu.memref_slice %arg2[%add3A, %dma_start3A_84, %dma_start3A_85] : memref<32x50x128xi32, #tpu.memory_space<hbm>> -> memref<1x50x128xi32, #tpu.memory_space<hbm>>
      %dma_start3A_87 = tpu.memref_squeeze %dma_start3A_86 : memref<1x50x128xi32, #tpu.memory_space<hbm>> -> memref<50x128xi32, #tpu.memory_space<hbm>>
      tpu.enqueue_dma source(%dma_start3A_87 : memref<50x128xi32, #tpu.memory_space<hbm>>) target(%arg5 : memref<50x128xi32, #tpu.memory_space<vmem>>) target_semaphore(%run_scoped3A : memref<!tpu.dma_semaphore, #tpu.memory_space<semaphore_mem>>)
      %dma_wait3A = arith.constant 0 : i32
      %dma_wait3A_88 = arith.constant 0 : i32
      %dma_wait3A_89 = tpu.memref_slice %arg2[%add3A, %dma_wait3A, %dma_wait3A_88] : memref<32x50x128xi32, #tpu.memory_space<hbm>> -> memref<1x50x128xi32, #tpu.memory_space<hbm>>
      %dma_wait3A_90 = tpu.memref_squeeze %dma_wait3A_89 : memref<1x50x128xi32, #tpu.memory_space<hbm>> -> memref<50x128xi32, #tpu.memory_space<hbm>>
      %dma_wait3A_91 = arith.constant 0 : i32
      %dma_wait3A_92 = arith.constant 0 : i32
      %dma_wait3A_93 = tpu.memref_slice %arg2[%add3A, %dma_wait3A_91, %dma_wait3A_92] : memref<32x50x128xi32, #tpu.memory_space<hbm>> -> memref<1x50x128xi32, #tpu.memory_space<hbm>>
      %dma_wait3A_94 = tpu.memref_squeeze %dma_wait3A_93 : memref<1x50x128xi32, #tpu.memory_space<hbm>> -> memref<50x128xi32, #tpu.memory_space<hbm>>
      tpu.wait_dma2 semaphore(%run_scoped3A : memref<!tpu.dma_semaphore, #tpu.memory_space<semaphore_mem>>) src(%dma_wait3A_94 : memref<50x128xi32, #tpu.memory_space<hbm>>) dst(%arg5 : memref<50x128xi32, #tpu.memory_space<vmem>>)
      tpu.yield
    }) : () -> ()
    %dma_start3A = arith.constant 0 : i32
    %dma_start3A_1 = arith.constant 0 : i32
    %dma_start3A_2 = arith.constant 0 : i32
    %dma_start3A_3 = arith.constant 0 : i32
    %dma_start3A_4 = arith.constant 0 : i32
    %dma_start3A_5 = tpu.memref_slice %arg6[%dma_start3A_1, %dma_start3A_3, %dma_start3A_4] : memref<5x128x64xf32, #tpu.memory_space<vmem>> -> memref<1x128x64xf32, #tpu.memory_space<vmem>>
    %dma_start3A_6 = tpu.memref_squeeze %dma_start3A_5 : memref<1x128x64xf32, #tpu.memory_space<vmem>> -> memref<128x64xf32, #tpu.memory_space<vmem>>
    %dma_start3A_7 = arith.constant 0 : i32
    %dma_start3A_8 = tpu.memref_slice %arg5[%dma_start3A, %dma_start3A_7] : memref<50x128xi32, #tpu.memory_space<vmem>> -> memref<1x128xi32, #tpu.memory_space<vmem>>
    %dma_start3A_9 = tpu.memref_squeeze %dma_start3A_8 : memref<1x128xi32, #tpu.memory_space<vmem>> -> memref<128xi32, #tpu.memory_space<vmem>>
    %dma_start3A_10 = arith.constant 0 : i32
    %dma_start3A_11 = arith.constant 0 : i32
    %dma_start3A_12 = tpu.memref_slice %arg3[%dma_start3A_10, %dma_start3A_11] : memref<1000000x64xf32, #tpu.memory_space<hbm>> -> memref<1000000x64xf32, #tpu.memory_space<hbm>>
    %dma_start3A_13 = tpu.memref_slice %arg7[%dma_start3A_2] : memref<5x!tpu.dma_semaphore, #tpu.memory_space<semaphore_mem>> -> memref<1x!tpu.dma_semaphore, #tpu.memory_space<semaphore_mem>>
    %dma_start3A_14 = tpu.memref_squeeze %dma_start3A_13 : memref<1x!tpu.dma_semaphore, #tpu.memory_space<semaphore_mem>> -> memref<!tpu.dma_semaphore, #tpu.memory_space<semaphore_mem>>
    tpu.enqueue_indirect_dma source(%dma_start3A_12 : memref<1000000x64xf32, #tpu.memory_space<hbm>>) target(%dma_start3A_6 : memref<128x64xf32, #tpu.memory_space<vmem>>) offsets(%dma_start3A_9 : memref<128xi32, #tpu.memory_space<vmem>>) semaphore(%dma_start3A_14 : memref<!tpu.dma_semaphore, #tpu.memory_space<semaphore_mem>>)
    %dma_start3A_15 = arith.constant 1 : i32
    %dma_start3A_16 = arith.constant 1 : i32
    %dma_start3A_17 = arith.constant 1 : i32
    %dma_start3A_18 = arith.constant 0 : i32
    %dma_start3A_19 = arith.constant 0 : i32
    %dma_start3A_20 = tpu.memref_slice %arg6[%dma_start3A_16, %dma_start3A_18, %dma_start3A_19] : memref<5x128x64xf32, #tpu.memory_space<vmem>> -> memref<1x128x64xf32, #tpu.memory_space<vmem>>
    %dma_start3A_21 = tpu.memref_squeeze %dma_start3A_20 : memref<1x128x64xf32, #tpu.memory_space<vmem>> -> memref<128x64xf32, #tpu.memory_space<vmem>>
    %dma_start3A_22 = arith.constant 0 : i32
    %dma_start3A_23 = tpu.memref_slice %arg5[%dma_start3A_15, %dma_start3A_22] : memref<50x128xi32, #tpu.memory_space<vmem>> -> memref<1x128xi32, #tpu.memory_space<vmem>>
    %dma_start3A_24 = tpu.memref_squeeze %dma_start3A_23 : memref<1x128xi32, #tpu.memory_space<vmem>> -> memref<128xi32, #tpu.memory_space<vmem>>
    %dma_start3A_25 = arith.constant 0 : i32
    %dma_start3A_26 = arith.constant 0 : i32
    %dma_start3A_27 = tpu.memref_slice %arg3[%dma_start3A_25, %dma_start3A_26] : memref<1000000x64xf32, #tpu.memory_space<hbm>> -> memref<1000000x64xf32, #tpu.memory_space<hbm>>
    %dma_start3A_28 = tpu.memref_slice %arg7[%dma_start3A_17] : memref<5x!tpu.dma_semaphore, #tpu.memory_space<semaphore_mem>> -> memref<1x!tpu.dma_semaphore, #tpu.memory_space<semaphore_mem>>
    %dma_start3A_29 = tpu.memref_squeeze %dma_start3A_28 : memref<1x!tpu.dma_semaphore, #tpu.memory_space<semaphore_mem>> -> memref<!tpu.dma_semaphore, #tpu.memory_space<semaphore_mem>>
    tpu.enqueue_indirect_dma source(%dma_start3A_27 : memref<1000000x64xf32, #tpu.memory_space<hbm>>) target(%dma_start3A_21 : memref<128x64xf32, #tpu.memory_space<vmem>>) offsets(%dma_start3A_24 : memref<128xi32, #tpu.memory_space<vmem>>) semaphore(%dma_start3A_29 : memref<!tpu.dma_semaphore, #tpu.memory_space<semaphore_mem>>)
    %dma_start3A_30 = arith.constant 2 : i32
    %dma_start3A_31 = arith.constant 2 : i32
    %dma_start3A_32 = arith.constant 2 : i32
    %dma_start3A_33 = arith.constant 0 : i32
    %dma_start3A_34 = arith.constant 0 : i32
    %dma_start3A_35 = tpu.memref_slice %arg6[%dma_start3A_31, %dma_start3A_33, %dma_start3A_34] : memref<5x128x64xf32, #tpu.memory_space<vmem>> -> memref<1x128x64xf32, #tpu.memory_space<vmem>>
    %dma_start3A_36 = tpu.memref_squeeze %dma_start3A_35 : memref<1x128x64xf32, #tpu.memory_space<vmem>> -> memref<128x64xf32, #tpu.memory_space<vmem>>
    %dma_start3A_37 = arith.constant 0 : i32
    %dma_start3A_38 = tpu.memref_slice %arg5[%dma_start3A_30, %dma_start3A_37] : memref<50x128xi32, #tpu.memory_space<vmem>> -> memref<1x128xi32, #tpu.memory_space<vmem>>
    %dma_start3A_39 = tpu.memref_squeeze %dma_start3A_38 : memref<1x128xi32, #tpu.memory_space<vmem>> -> memref<128xi32, #tpu.memory_space<vmem>>
    %dma_start3A_40 = arith.constant 0 : i32
    %dma_start3A_41 = arith.constant 0 : i32
    %dma_start3A_42 = tpu.memref_slice %arg3[%dma_start3A_40, %dma_start3A_41] : memref<1000000x64xf32, #tpu.memory_space<hbm>> -> memref<1000000x64xf32, #tpu.memory_space<hbm>>
    %dma_start3A_43 = tpu.memref_slice %arg7[%dma_start3A_32] : memref<5x!tpu.dma_semaphore, #tpu.memory_space<semaphore_mem>> -> memref<1x!tpu.dma_semaphore, #tpu.memory_space<semaphore_mem>>
    %dma_start3A_44 = tpu.memref_squeeze %dma_start3A_43 : memref<1x!tpu.dma_semaphore, #tpu.memory_space<semaphore_mem>> -> memref<!tpu.dma_semaphore, #tpu.memory_space<semaphore_mem>>
    tpu.enqueue_indirect_dma source(%dma_start3A_42 : memref<1000000x64xf32, #tpu.memory_space<hbm>>) target(%dma_start3A_36 : memref<128x64xf32, #tpu.memory_space<vmem>>) offsets(%dma_start3A_39 : memref<128xi32, #tpu.memory_space<vmem>>) semaphore(%dma_start3A_44 : memref<!tpu.dma_semaphore, #tpu.memory_space<semaphore_mem>>)
    %dma_start3A_45 = arith.constant 3 : i32
    %dma_start3A_46 = arith.constant 3 : i32
    %dma_start3A_47 = arith.constant 3 : i32
    %dma_start3A_48 = arith.constant 0 : i32
    %dma_start3A_49 = arith.constant 0 : i32
    %dma_start3A_50 = tpu.memref_slice %arg6[%dma_start3A_46, %dma_start3A_48, %dma_start3A_49] : memref<5x128x64xf32, #tpu.memory_space<vmem>> -> memref<1x128x64xf32, #tpu.memory_space<vmem>>
    %dma_start3A_51 = tpu.memref_squeeze %dma_start3A_50 : memref<1x128x64xf32, #tpu.memory_space<vmem>> -> memref<128x64xf32, #tpu.memory_space<vmem>>
    %dma_start3A_52 = arith.constant 0 : i32
    %dma_start3A_53 = tpu.memref_slice %arg5[%dma_start3A_45, %dma_start3A_52] : memref<50x128xi32, #tpu.memory_space<vmem>> -> memref<1x128xi32, #tpu.memory_space<vmem>>
    %dma_start3A_54 = tpu.memref_squeeze %dma_start3A_53 : memref<1x128xi32, #tpu.memory_space<vmem>> -> memref<128xi32, #tpu.memory_space<vmem>>
    %dma_start3A_55 = arith.constant 0 : i32
    %dma_start3A_56 = arith.constant 0 : i32
    %dma_start3A_57 = tpu.memref_slice %arg3[%dma_start3A_55, %dma_start3A_56] : memref<1000000x64xf32, #tpu.memory_space<hbm>> -> memref<1000000x64xf32, #tpu.memory_space<hbm>>
    %dma_start3A_58 = tpu.memref_slice %arg7[%dma_start3A_47] : memref<5x!tpu.dma_semaphore, #tpu.memory_space<semaphore_mem>> -> memref<1x!tpu.dma_semaphore, #tpu.memory_space<semaphore_mem>>
    %dma_start3A_59 = tpu.memref_squeeze %dma_start3A_58 : memref<1x!tpu.dma_semaphore, #tpu.memory_space<semaphore_mem>> -> memref<!tpu.dma_semaphore, #tpu.memory_space<semaphore_mem>>
    tpu.enqueue_indirect_dma source(%dma_start3A_57 : memref<1000000x64xf32, #tpu.memory_space<hbm>>) target(%dma_start3A_51 : memref<128x64xf32, #tpu.memory_space<vmem>>) offsets(%dma_start3A_54 : memref<128xi32, #tpu.memory_space<vmem>>) semaphore(%dma_start3A_59 : memref<!tpu.dma_semaphore, #tpu.memory_space<semaphore_mem>>)
    %dma_start3A_60 = arith.constant 4 : i32
    %dma_start3A_61 = arith.constant 4 : i32
    %dma_start3A_62 = arith.constant 4 : i32
    %dma_start3A_63 = arith.constant 0 : i32
    %dma_start3A_64 = arith.constant 0 : i32
    %dma_start3A_65 = tpu.memref_slice %arg6[%dma_start3A_61, %dma_start3A_63, %dma_start3A_64] : memref<5x128x64xf32, #tpu.memory_space<vmem>> -> memref<1x128x64xf32, #tpu.memory_space<vmem>>
    %dma_start3A_66 = tpu.memref_squeeze %dma_start3A_65 : memref<1x128x64xf32, #tpu.memory_space<vmem>> -> memref<128x64xf32, #tpu.memory_space<vmem>>
    %dma_start3A_67 = arith.constant 0 : i32
    %dma_start3A_68 = tpu.memref_slice %arg5[%dma_start3A_60, %dma_start3A_67] : memref<50x128xi32, #tpu.memory_space<vmem>> -> memref<1x128xi32, #tpu.memory_space<vmem>>
    %dma_start3A_69 = tpu.memref_squeeze %dma_start3A_68 : memref<1x128xi32, #tpu.memory_space<vmem>> -> memref<128xi32, #tpu.memory_space<vmem>>
    %dma_start3A_70 = arith.constant 0 : i32
    %dma_start3A_71 = arith.constant 0 : i32
    %dma_start3A_72 = tpu.memref_slice %arg3[%dma_start3A_70, %dma_start3A_71] : memref<1000000x64xf32, #tpu.memory_space<hbm>> -> memref<1000000x64xf32, #tpu.memory_space<hbm>>
    %dma_start3A_73 = tpu.memref_slice %arg7[%dma_start3A_62] : memref<5x!tpu.dma_semaphore, #tpu.memory_space<semaphore_mem>> -> memref<1x!tpu.dma_semaphore, #tpu.memory_space<semaphore_mem>>
    %dma_start3A_74 = tpu.memref_squeeze %dma_start3A_73 : memref<1x!tpu.dma_semaphore, #tpu.memory_space<semaphore_mem>> -> memref<!tpu.dma_semaphore, #tpu.memory_space<semaphore_mem>>
    tpu.enqueue_indirect_dma source(%dma_start3A_72 : memref<1000000x64xf32, #tpu.memory_space<hbm>>) target(%dma_start3A_66 : memref<128x64xf32, #tpu.memory_space<vmem>>) offsets(%dma_start3A_69 : memref<128xi32, #tpu.memory_space<vmem>>) semaphore(%dma_start3A_74 : memref<!tpu.dma_semaphore, #tpu.memory_space<semaphore_mem>>)
    %scan3A = arith.constant 0 : i32
    %scan3A_75 = arith.constant 0 : i32
    %scan3A_76 = arith.constant 10 : i32
    %scan3A_77 = arith.addi %scan3A_75, %scan3A_76 : i32
    %scan3A_78 = arith.constant 1 : i32
    scf.for %scan3A_80 = %scan3A_75 to %scan3A_77 step %scan3A_78  : i32 {
      %mul3A_81 = arith.constant 5 : i32
      %mul3A_82 = arith.muli %scan3A_80, %mul3A_81 : i32
      %add3A_83 = arith.constant 0 : i32
      %add3A_84 = arith.addi %mul3A_82, %add3A_83 : i32
      %dma_wait3A = arith.constant 0 : i32
      %dma_wait3A_85 = arith.constant 0 : i32
      %dma_wait3A_86 = arith.constant 0 : i32
      %dma_wait3A_87 = arith.constant 0 : i32
      %dma_wait3A_88 = tpu.memref_slice %arg6[%dma_wait3A, %dma_wait3A_86, %dma_wait3A_87] : memref<5x128x64xf32, #tpu.memory_space<vmem>> -> memref<1x128x64xf32, #tpu.memory_space<vmem>>
      %dma_wait3A_89 = tpu.memref_squeeze %dma_wait3A_88 : memref<1x128x64xf32, #tpu.memory_space<vmem>> -> memref<128x64xf32, #tpu.memory_space<vmem>>
      %dma_wait3A_90 = arith.constant 0 : i32
      %dma_wait3A_91 = tpu.memref_slice %arg5[%add3A_84, %dma_wait3A_90] : memref<50x128xi32, #tpu.memory_space<vmem>> -> memref<1x128xi32, #tpu.memory_space<vmem>>
      %dma_wait3A_92 = tpu.memref_squeeze %dma_wait3A_91 : memref<1x128xi32, #tpu.memory_space<vmem>> -> memref<128xi32, #tpu.memory_space<vmem>>
      %dma_wait3A_93 = arith.constant 0 : i32
      %dma_wait3A_94 = arith.constant 0 : i32
      %dma_wait3A_95 = tpu.memref_slice %arg3[%dma_wait3A_93, %dma_wait3A_94] : memref<1000000x64xf32, #tpu.memory_space<hbm>> -> memref<1000000x64xf32, #tpu.memory_space<hbm>>
      %dma_wait3A_96 = tpu.memref_slice %arg7[%dma_wait3A_85] : memref<5x!tpu.dma_semaphore, #tpu.memory_space<semaphore_mem>> -> memref<1x!tpu.dma_semaphore, #tpu.memory_space<semaphore_mem>>
      %dma_wait3A_97 = tpu.memref_squeeze %dma_wait3A_96 : memref<1x!tpu.dma_semaphore, #tpu.memory_space<semaphore_mem>> -> memref<!tpu.dma_semaphore, #tpu.memory_space<semaphore_mem>>
      tpu.wait_indirect_dma semaphore(%dma_wait3A_97 : memref<!tpu.dma_semaphore, #tpu.memory_space<semaphore_mem>>) src(%dma_wait3A_95 : memref<1000000x64xf32, #tpu.memory_space<hbm>>) dst(%dma_wait3A_89 : memref<128x64xf32, #tpu.memory_space<vmem>>)
      %mul3A_98 = arith.constant 6400 : i32
      %mul3A_99 = arith.muli %add3A, %mul3A_98 : i32
      %mul3A_100 = arith.constant 128 : i32
      %mul3A_101 = arith.muli %add3A_84, %mul3A_100 : i32
      %add3A_102 = arith.addi %mul3A_99, %mul3A_101 : i32
      %run_scoped3A = arith.constant 0 : i32
      "tpu.region"() ({
        %run_scoped3A_223 = tpu.sem_alloc : memref<!tpu.dma_semaphore, #tpu.memory_space<semaphore_mem>>
        %dma_start3A_224 = arith.constant 0 : i32
        %dma_start3A_225 = arith.constant 0 : i32
        %dma_start3A_226 = tpu.memref_slice %arg6[%run_scoped3A, %dma_start3A_224, %dma_start3A_225] : memref<5x128x64xf32, #tpu.memory_space<vmem>> -> memref<1x128x64xf32, #tpu.memory_space<vmem>>
        %dma_start3A_227 = tpu.memref_squeeze %dma_start3A_226 : memref<1x128x64xf32, #tpu.memory_space<vmem>> -> memref<128x64xf32, #tpu.memory_space<vmem>>
        %dma_start3A_228 = arith.constant 0 : i32
        %dma_start3A_229 = tpu.memref_slice %arg4[%add3A_102, %dma_start3A_228] : memref<204800x64xf32, #tpu.memory_space<hbm>> -> memref<128x64xf32, #tpu.memory_space<hbm>>
        %dma_start3A_230 = arith.constant 0 : i32
        %dma_start3A_231 = tpu.memref_slice %arg4[%add3A_102, %dma_start3A_230] : memref<204800x64xf32, #tpu.memory_space<hbm>> -> memref<128x64xf32, #tpu.memory_space<hbm>>
        %dma_start3A_232 = arith.constant 0 : i32
        %dma_start3A_233 = arith.constant 0 : i32
        %dma_start3A_234 = tpu.memref_slice %arg6[%run_scoped3A, %dma_start3A_232, %dma_start3A_233] : memref<5x128x64xf32, #tpu.memory_space<vmem>> -> memref<1x128x64xf32, #tpu.memory_space<vmem>>
        %dma_start3A_235 = tpu.memref_squeeze %dma_start3A_234 : memref<1x128x64xf32, #tpu.memory_space<vmem>> -> memref<128x64xf32, #tpu.memory_space<vmem>>
        tpu.enqueue_dma source(%dma_start3A_235 : memref<128x64xf32, #tpu.memory_space<vmem>>) target(%dma_start3A_231 : memref<128x64xf32, #tpu.memory_space<hbm>>) target_semaphore(%run_scoped3A_223 : memref<!tpu.dma_semaphore, #tpu.memory_space<semaphore_mem>>)
        %dma_wait3A_236 = arith.constant 0 : i32
        %dma_wait3A_237 = arith.constant 0 : i32
        %dma_wait3A_238 = tpu.memref_slice %arg6[%run_scoped3A, %dma_wait3A_236, %dma_wait3A_237] : memref<5x128x64xf32, #tpu.memory_space<vmem>> -> memref<1x128x64xf32, #tpu.memory_space<vmem>>
        %dma_wait3A_239 = tpu.memref_squeeze %dma_wait3A_238 : memref<1x128x64xf32, #tpu.memory_space<vmem>> -> memref<128x64xf32, #tpu.memory_space<vmem>>
        %dma_wait3A_240 = arith.constant 0 : i32
        %dma_wait3A_241 = tpu.memref_slice %arg4[%add3A_102, %dma_wait3A_240] : memref<204800x64xf32, #tpu.memory_space<hbm>> -> memref<128x64xf32, #tpu.memory_space<hbm>>
        %dma_wait3A_242 = arith.constant 0 : i32
        %dma_wait3A_243 = tpu.memref_slice %arg4[%add3A_102, %dma_wait3A_242] : memref<204800x64xf32, #tpu.memory_space<hbm>> -> memref<128x64xf32, #tpu.memory_space<hbm>>
        %dma_wait3A_244 = arith.constant 0 : i32
        %dma_wait3A_245 = arith.constant 0 : i32
        %dma_wait3A_246 = tpu.memref_slice %arg6[%run_scoped3A, %dma_wait3A_244, %dma_wait3A_245] : memref<5x128x64xf32, #tpu.memory_space<vmem>> -> memref<1x128x64xf32, #tpu.memory_space<vmem>>
        %dma_wait3A_247 = tpu.memref_squeeze %dma_wait3A_246 : memref<1x128x64xf32, #tpu.memory_space<vmem>> -> memref<128x64xf32, #tpu.memory_space<vmem>>
        tpu.wait_dma2 semaphore(%run_scoped3A_223 : memref<!tpu.dma_semaphore, #tpu.memory_space<semaphore_mem>>) src(%dma_wait3A_247 : memref<128x64xf32, #tpu.memory_space<vmem>>) dst(%dma_wait3A_243 : memref<128x64xf32, #tpu.memory_space<hbm>>)
        tpu.yield
      }) : () -> ()
      %add3A_103 = arith.constant 5 : i32
      %add3A_104 = arith.addi %add3A_84, %add3A_103 : i32
      %lt3A = arith.constant 50 : i32
      %lt3A_105 = arith.cmpi slt, %add3A_104, %lt3A : i32
      %convert_element_type3A = arith.extui %lt3A_105 : i1 to i32
      %cond3A = arith.constant 0 : i32
      %cond3A_106 = arith.cmpi ne, %convert_element_type3A, %cond3A : i32
      scf.if %cond3A_106 {
        %dma_start3A_223 = arith.constant 0 : i32
        %dma_start3A_224 = arith.constant 0 : i32
        %dma_start3A_225 = arith.constant 0 : i32
        %dma_start3A_226 = arith.constant 0 : i32
        %dma_start3A_227 = tpu.memref_slice %arg6[%dma_start3A_223, %dma_start3A_225, %dma_start3A_226] : memref<5x128x64xf32, #tpu.memory_space<vmem>> -> memref<1x128x64xf32, #tpu.memory_space<vmem>>
        %dma_start3A_228 = tpu.memref_squeeze %dma_start3A_227 : memref<1x128x64xf32, #tpu.memory_space<vmem>> -> memref<128x64xf32, #tpu.memory_space<vmem>>
        %dma_start3A_229 = arith.constant 0 : i32
        %dma_start3A_230 = tpu.memref_slice %arg5[%add3A_104, %dma_start3A_229] : memref<50x128xi32, #tpu.memory_space<vmem>> -> memref<1x128xi32, #tpu.memory_space<vmem>>
        %dma_start3A_231 = tpu.memref_squeeze %dma_start3A_230 : memref<1x128xi32, #tpu.memory_space<vmem>> -> memref<128xi32, #tpu.memory_space<vmem>>
        %dma_start3A_232 = arith.constant 0 : i32
        %dma_start3A_233 = arith.constant 0 : i32
        %dma_start3A_234 = tpu.memref_slice %arg3[%dma_start3A_232, %dma_start3A_233] : memref<1000000x64xf32, #tpu.memory_space<hbm>> -> memref<1000000x64xf32, #tpu.memory_space<hbm>>
        %dma_start3A_235 = tpu.memref_slice %arg7[%dma_start3A_224] : memref<5x!tpu.dma_semaphore, #tpu.memory_space<semaphore_mem>> -> memref<1x!tpu.dma_semaphore, #tpu.memory_space<semaphore_mem>>
        %dma_start3A_236 = tpu.memref_squeeze %dma_start3A_235 : memref<1x!tpu.dma_semaphore, #tpu.memory_space<semaphore_mem>> -> memref<!tpu.dma_semaphore, #tpu.memory_space<semaphore_mem>>
        tpu.enqueue_indirect_dma source(%dma_start3A_234 : memref<1000000x64xf32, #tpu.memory_space<hbm>>) target(%dma_start3A_228 : memref<128x64xf32, #tpu.memory_space<vmem>>) offsets(%dma_start3A_231 : memref<128xi32, #tpu.memory_space<vmem>>) semaphore(%dma_start3A_236 : memref<!tpu.dma_semaphore, #tpu.memory_space<semaphore_mem>>)
      } else {
      }
      %add3A_107 = arith.constant 1 : i32
      %add3A_108 = arith.addi %mul3A_82, %add3A_107 : i32
      %dma_wait3A_109 = arith.constant 1 : i32
      %dma_wait3A_110 = arith.constant 1 : i32
      %dma_wait3A_111 = arith.constant 0 : i32
      %dma_wait3A_112 = arith.constant 0 : i32
      %dma_wait3A_113 = tpu.memref_slice %arg6[%dma_wait3A_109, %dma_wait3A_111, %dma_wait3A_112] : memref<5x128x64xf32, #tpu.memory_space<vmem>> -> memref<1x128x64xf32, #tpu.memory_space<vmem>>
      %dma_wait3A_114 = tpu.memref_squeeze %dma_wait3A_113 : memref<1x128x64xf32, #tpu.memory_space<vmem>> -> memref<128x64xf32, #tpu.memory_space<vmem>>
      %dma_wait3A_115 = arith.constant 0 : i32
      %dma_wait3A_116 = tpu.memref_slice %arg5[%add3A_108, %dma_wait3A_115] : memref<50x128xi32, #tpu.memory_space<vmem>> -> memref<1x128xi32, #tpu.memory_space<vmem>>
      %dma_wait3A_117 = tpu.memref_squeeze %dma_wait3A_116 : memref<1x128xi32, #tpu.memory_space<vmem>> -> memref<128xi32, #tpu.memory_space<vmem>>
      %dma_wait3A_118 = arith.constant 0 : i32
      %dma_wait3A_119 = arith.constant 0 : i32
      %dma_wait3A_120 = tpu.memref_slice %arg3[%dma_wait3A_118, %dma_wait3A_119] : memref<1000000x64xf32, #tpu.memory_space<hbm>> -> memref<1000000x64xf32, #tpu.memory_space<hbm>>
      %dma_wait3A_121 = tpu.memref_slice %arg7[%dma_wait3A_110] : memref<5x!tpu.dma_semaphore, #tpu.memory_space<semaphore_mem>> -> memref<1x!tpu.dma_semaphore, #tpu.memory_space<semaphore_mem>>
      %dma_wait3A_122 = tpu.memref_squeeze %dma_wait3A_121 : memref<1x!tpu.dma_semaphore, #tpu.memory_space<semaphore_mem>> -> memref<!tpu.dma_semaphore, #tpu.memory_space<semaphore_mem>>
      tpu.wait_indirect_dma semaphore(%dma_wait3A_122 : memref<!tpu.dma_semaphore, #tpu.memory_space<semaphore_mem>>) src(%dma_wait3A_120 : memref<1000000x64xf32, #tpu.memory_space<hbm>>) dst(%dma_wait3A_114 : memref<128x64xf32, #tpu.memory_space<vmem>>)
      %mul3A_123 = arith.constant 6400 : i32
      %mul3A_124 = arith.muli %add3A, %mul3A_123 : i32
      %mul3A_125 = arith.constant 128 : i32
      %mul3A_126 = arith.muli %add3A_108, %mul3A_125 : i32
      %add3A_127 = arith.addi %mul3A_124, %mul3A_126 : i32
      %run_scoped3A_128 = arith.constant 1 : i32
      "tpu.region"() ({
        %run_scoped3A_223 = tpu.sem_alloc : memref<!tpu.dma_semaphore, #tpu.memory_space<semaphore_mem>>
        %dma_start3A_224 = arith.constant 0 : i32
        %dma_start3A_225 = arith.constant 0 : i32
        %dma_start3A_226 = tpu.memref_slice %arg6[%run_scoped3A_128, %dma_start3A_224, %dma_start3A_225] : memref<5x128x64xf32, #tpu.memory_space<vmem>> -> memref<1x128x64xf32, #tpu.memory_space<vmem>>
        %dma_start3A_227 = tpu.memref_squeeze %dma_start3A_226 : memref<1x128x64xf32, #tpu.memory_space<vmem>> -> memref<128x64xf32, #tpu.memory_space<vmem>>
        %dma_start3A_228 = arith.constant 0 : i32
        %dma_start3A_229 = tpu.memref_slice %arg4[%add3A_127, %dma_start3A_228] : memref<204800x64xf32, #tpu.memory_space<hbm>> -> memref<128x64xf32, #tpu.memory_space<hbm>>
        %dma_start3A_230 = arith.constant 0 : i32
        %dma_start3A_231 = tpu.memref_slice %arg4[%add3A_127, %dma_start3A_230] : memref<204800x64xf32, #tpu.memory_space<hbm>> -> memref<128x64xf32, #tpu.memory_space<hbm>>
        %dma_start3A_232 = arith.constant 0 : i32
        %dma_start3A_233 = arith.constant 0 : i32
        %dma_start3A_234 = tpu.memref_slice %arg6[%run_scoped3A_128, %dma_start3A_232, %dma_start3A_233] : memref<5x128x64xf32, #tpu.memory_space<vmem>> -> memref<1x128x64xf32, #tpu.memory_space<vmem>>
        %dma_start3A_235 = tpu.memref_squeeze %dma_start3A_234 : memref<1x128x64xf32, #tpu.memory_space<vmem>> -> memref<128x64xf32, #tpu.memory_space<vmem>>
        tpu.enqueue_dma source(%dma_start3A_235 : memref<128x64xf32, #tpu.memory_space<vmem>>) target(%dma_start3A_231 : memref<128x64xf32, #tpu.memory_space<hbm>>) target_semaphore(%run_scoped3A_223 : memref<!tpu.dma_semaphore, #tpu.memory_space<semaphore_mem>>)
        %dma_wait3A_236 = arith.constant 0 : i32
        %dma_wait3A_237 = arith.constant 0 : i32
        %dma_wait3A_238 = tpu.memref_slice %arg6[%run_scoped3A_128, %dma_wait3A_236, %dma_wait3A_237] : memref<5x128x64xf32, #tpu.memory_space<vmem>> -> memref<1x128x64xf32, #tpu.memory_space<vmem>>
        %dma_wait3A_239 = tpu.memref_squeeze %dma_wait3A_238 : memref<1x128x64xf32, #tpu.memory_space<vmem>> -> memref<128x64xf32, #tpu.memory_space<vmem>>
        %dma_wait3A_240 = arith.constant 0 : i32
        %dma_wait3A_241 = tpu.memref_slice %arg4[%add3A_127, %dma_wait3A_240] : memref<204800x64xf32, #tpu.memory_space<hbm>> -> memref<128x64xf32, #tpu.memory_space<hbm>>
        %dma_wait3A_242 = arith.constant 0 : i32
        %dma_wait3A_243 = tpu.memref_slice %arg4[%add3A_127, %dma_wait3A_242] : memref<204800x64xf32, #tpu.memory_space<hbm>> -> memref<128x64xf32, #tpu.memory_space<hbm>>
        %dma_wait3A_244 = arith.constant 0 : i32
        %dma_wait3A_245 = arith.constant 0 : i32
        %dma_wait3A_246 = tpu.memref_slice %arg6[%run_scoped3A_128, %dma_wait3A_244, %dma_wait3A_245] : memref<5x128x64xf32, #tpu.memory_space<vmem>> -> memref<1x128x64xf32, #tpu.memory_space<vmem>>
        %dma_wait3A_247 = tpu.memref_squeeze %dma_wait3A_246 : memref<1x128x64xf32, #tpu.memory_space<vmem>> -> memref<128x64xf32, #tpu.memory_space<vmem>>
        tpu.wait_dma2 semaphore(%run_scoped3A_223 : memref<!tpu.dma_semaphore, #tpu.memory_space<semaphore_mem>>) src(%dma_wait3A_247 : memref<128x64xf32, #tpu.memory_space<vmem>>) dst(%dma_wait3A_243 : memref<128x64xf32, #tpu.memory_space<hbm>>)
        tpu.yield
      }) : () -> ()
      %add3A_129 = arith.constant 5 : i32
      %add3A_130 = arith.addi %add3A_108, %add3A_129 : i32
      %lt3A_131 = arith.constant 50 : i32
      %lt3A_132 = arith.cmpi slt, %add3A_130, %lt3A_131 : i32
      %convert_element_type3A_133 = arith.extui %lt3A_132 : i1 to i32
      %cond3A_134 = arith.constant 0 : i32
      %cond3A_135 = arith.cmpi ne, %convert_element_type3A_133, %cond3A_134 : i32
      scf.if %cond3A_135 {
        %dma_start3A_223 = arith.constant 1 : i32
        %dma_start3A_224 = arith.constant 1 : i32
        %dma_start3A_225 = arith.constant 0 : i32
        %dma_start3A_226 = arith.constant 0 : i32
        %dma_start3A_227 = tpu.memref_slice %arg6[%dma_start3A_223, %dma_start3A_225, %dma_start3A_226] : memref<5x128x64xf32, #tpu.memory_space<vmem>> -> memref<1x128x64xf32, #tpu.memory_space<vmem>>
        %dma_start3A_228 = tpu.memref_squeeze %dma_start3A_227 : memref<1x128x64xf32, #tpu.memory_space<vmem>> -> memref<128x64xf32, #tpu.memory_space<vmem>>
        %dma_start3A_229 = arith.constant 0 : i32
        %dma_start3A_230 = tpu.memref_slice %arg5[%add3A_130, %dma_start3A_229] : memref<50x128xi32, #tpu.memory_space<vmem>> -> memref<1x128xi32, #tpu.memory_space<vmem>>
        %dma_start3A_231 = tpu.memref_squeeze %dma_start3A_230 : memref<1x128xi32, #tpu.memory_space<vmem>> -> memref<128xi32, #tpu.memory_space<vmem>>
        %dma_start3A_232 = arith.constant 0 : i32
        %dma_start3A_233 = arith.constant 0 : i32
        %dma_start3A_234 = tpu.memref_slice %arg3[%dma_start3A_232, %dma_start3A_233] : memref<1000000x64xf32, #tpu.memory_space<hbm>> -> memref<1000000x64xf32, #tpu.memory_space<hbm>>
        %dma_start3A_235 = tpu.memref_slice %arg7[%dma_start3A_224] : memref<5x!tpu.dma_semaphore, #tpu.memory_space<semaphore_mem>> -> memref<1x!tpu.dma_semaphore, #tpu.memory_space<semaphore_mem>>
        %dma_start3A_236 = tpu.memref_squeeze %dma_start3A_235 : memref<1x!tpu.dma_semaphore, #tpu.memory_space<semaphore_mem>> -> memref<!tpu.dma_semaphore, #tpu.memory_space<semaphore_mem>>
        tpu.enqueue_indirect_dma source(%dma_start3A_234 : memref<1000000x64xf32, #tpu.memory_space<hbm>>) target(%dma_start3A_228 : memref<128x64xf32, #tpu.memory_space<vmem>>) offsets(%dma_start3A_231 : memref<128xi32, #tpu.memory_space<vmem>>) semaphore(%dma_start3A_236 : memref<!tpu.dma_semaphore, #tpu.memory_space<semaphore_mem>>)
      } else {
      }
      %add3A_136 = arith.constant 2 : i32
      %add3A_137 = arith.addi %mul3A_82, %add3A_136 : i32
      %dma_wait3A_138 = arith.constant 2 : i32
      %dma_wait3A_139 = arith.constant 2 : i32
      %dma_wait3A_140 = arith.constant 0 : i32
      %dma_wait3A_141 = arith.constant 0 : i32
      %dma_wait3A_142 = tpu.memref_slice %arg6[%dma_wait3A_138, %dma_wait3A_140, %dma_wait3A_141] : memref<5x128x64xf32, #tpu.memory_space<vmem>> -> memref<1x128x64xf32, #tpu.memory_space<vmem>>
      %dma_wait3A_143 = tpu.memref_squeeze %dma_wait3A_142 : memref<1x128x64xf32, #tpu.memory_space<vmem>> -> memref<128x64xf32, #tpu.memory_space<vmem>>
      %dma_wait3A_144 = arith.constant 0 : i32
      %dma_wait3A_145 = tpu.memref_slice %arg5[%add3A_137, %dma_wait3A_144] : memref<50x128xi32, #tpu.memory_space<vmem>> -> memref<1x128xi32, #tpu.memory_space<vmem>>
      %dma_wait3A_146 = tpu.memref_squeeze %dma_wait3A_145 : memref<1x128xi32, #tpu.memory_space<vmem>> -> memref<128xi32, #tpu.memory_space<vmem>>
      %dma_wait3A_147 = arith.constant 0 : i32
      %dma_wait3A_148 = arith.constant 0 : i32
      %dma_wait3A_149 = tpu.memref_slice %arg3[%dma_wait3A_147, %dma_wait3A_148] : memref<1000000x64xf32, #tpu.memory_space<hbm>> -> memref<1000000x64xf32, #tpu.memory_space<hbm>>
      %dma_wait3A_150 = tpu.memref_slice %arg7[%dma_wait3A_139] : memref<5x!tpu.dma_semaphore, #tpu.memory_space<semaphore_mem>> -> memref<1x!tpu.dma_semaphore, #tpu.memory_space<semaphore_mem>>
      %dma_wait3A_151 = tpu.memref_squeeze %dma_wait3A_150 : memref<1x!tpu.dma_semaphore, #tpu.memory_space<semaphore_mem>> -> memref<!tpu.dma_semaphore, #tpu.memory_space<semaphore_mem>>
      tpu.wait_indirect_dma semaphore(%dma_wait3A_151 : memref<!tpu.dma_semaphore, #tpu.memory_space<semaphore_mem>>) src(%dma_wait3A_149 : memref<1000000x64xf32, #tpu.memory_space<hbm>>) dst(%dma_wait3A_143 : memref<128x64xf32, #tpu.memory_space<vmem>>)
      %mul3A_152 = arith.constant 6400 : i32
      %mul3A_153 = arith.muli %add3A, %mul3A_152 : i32
      %mul3A_154 = arith.constant 128 : i32
      %mul3A_155 = arith.muli %add3A_137, %mul3A_154 : i32
      %add3A_156 = arith.addi %mul3A_153, %mul3A_155 : i32
      %run_scoped3A_157 = arith.constant 2 : i32
      "tpu.region"() ({
        %run_scoped3A_223 = tpu.sem_alloc : memref<!tpu.dma_semaphore, #tpu.memory_space<semaphore_mem>>
        %dma_start3A_224 = arith.constant 0 : i32
        %dma_start3A_225 = arith.constant 0 : i32
        %dma_start3A_226 = tpu.memref_slice %arg6[%run_scoped3A_157, %dma_start3A_224, %dma_start3A_225] : memref<5x128x64xf32, #tpu.memory_space<vmem>> -> memref<1x128x64xf32, #tpu.memory_space<vmem>>
        %dma_start3A_227 = tpu.memref_squeeze %dma_start3A_226 : memref<1x128x64xf32, #tpu.memory_space<vmem>> -> memref<128x64xf32, #tpu.memory_space<vmem>>
        %dma_start3A_228 = arith.constant 0 : i32
        %dma_start3A_229 = tpu.memref_slice %arg4[%add3A_156, %dma_start3A_228] : memref<204800x64xf32, #tpu.memory_space<hbm>> -> memref<128x64xf32, #tpu.memory_space<hbm>>
        %dma_start3A_230 = arith.constant 0 : i32
        %dma_start3A_231 = tpu.memref_slice %arg4[%add3A_156, %dma_start3A_230] : memref<204800x64xf32, #tpu.memory_space<hbm>> -> memref<128x64xf32, #tpu.memory_space<hbm>>
        %dma_start3A_232 = arith.constant 0 : i32
        %dma_start3A_233 = arith.constant 0 : i32
        %dma_start3A_234 = tpu.memref_slice %arg6[%run_scoped3A_157, %dma_start3A_232, %dma_start3A_233] : memref<5x128x64xf32, #tpu.memory_space<vmem>> -> memref<1x128x64xf32, #tpu.memory_space<vmem>>
        %dma_start3A_235 = tpu.memref_squeeze %dma_start3A_234 : memref<1x128x64xf32, #tpu.memory_space<vmem>> -> memref<128x64xf32, #tpu.memory_space<vmem>>
        tpu.enqueue_dma source(%dma_start3A_235 : memref<128x64xf32, #tpu.memory_space<vmem>>) target(%dma_start3A_231 : memref<128x64xf32, #tpu.memory_space<hbm>>) target_semaphore(%run_scoped3A_223 : memref<!tpu.dma_semaphore, #tpu.memory_space<semaphore_mem>>)
        %dma_wait3A_236 = arith.constant 0 : i32
        %dma_wait3A_237 = arith.constant 0 : i32
        %dma_wait3A_238 = tpu.memref_slice %arg6[%run_scoped3A_157, %dma_wait3A_236, %dma_wait3A_237] : memref<5x128x64xf32, #tpu.memory_space<vmem>> -> memref<1x128x64xf32, #tpu.memory_space<vmem>>
        %dma_wait3A_239 = tpu.memref_squeeze %dma_wait3A_238 : memref<1x128x64xf32, #tpu.memory_space<vmem>> -> memref<128x64xf32, #tpu.memory_space<vmem>>
        %dma_wait3A_240 = arith.constant 0 : i32
        %dma_wait3A_241 = tpu.memref_slice %arg4[%add3A_156, %dma_wait3A_240] : memref<204800x64xf32, #tpu.memory_space<hbm>> -> memref<128x64xf32, #tpu.memory_space<hbm>>
        %dma_wait3A_242 = arith.constant 0 : i32
        %dma_wait3A_243 = tpu.memref_slice %arg4[%add3A_156, %dma_wait3A_242] : memref<204800x64xf32, #tpu.memory_space<hbm>> -> memref<128x64xf32, #tpu.memory_space<hbm>>
        %dma_wait3A_244 = arith.constant 0 : i32
        %dma_wait3A_245 = arith.constant 0 : i32
        %dma_wait3A_246 = tpu.memref_slice %arg6[%run_scoped3A_157, %dma_wait3A_244, %dma_wait3A_245] : memref<5x128x64xf32, #tpu.memory_space<vmem>> -> memref<1x128x64xf32, #tpu.memory_space<vmem>>
        %dma_wait3A_247 = tpu.memref_squeeze %dma_wait3A_246 : memref<1x128x64xf32, #tpu.memory_space<vmem>> -> memref<128x64xf32, #tpu.memory_space<vmem>>
        tpu.wait_dma2 semaphore(%run_scoped3A_223 : memref<!tpu.dma_semaphore, #tpu.memory_space<semaphore_mem>>) src(%dma_wait3A_247 : memref<128x64xf32, #tpu.memory_space<vmem>>) dst(%dma_wait3A_243 : memref<128x64xf32, #tpu.memory_space<hbm>>)
        tpu.yield
      }) : () -> ()
      %add3A_158 = arith.constant 5 : i32
      %add3A_159 = arith.addi %add3A_137, %add3A_158 : i32
      %lt3A_160 = arith.constant 50 : i32
      %lt3A_161 = arith.cmpi slt, %add3A_159, %lt3A_160 : i32
      %convert_element_type3A_162 = arith.extui %lt3A_161 : i1 to i32
      %cond3A_163 = arith.constant 0 : i32
      %cond3A_164 = arith.cmpi ne, %convert_element_type3A_162, %cond3A_163 : i32
      scf.if %cond3A_164 {
        %dma_start3A_223 = arith.constant 2 : i32
        %dma_start3A_224 = arith.constant 2 : i32
        %dma_start3A_225 = arith.constant 0 : i32
        %dma_start3A_226 = arith.constant 0 : i32
        %dma_start3A_227 = tpu.memref_slice %arg6[%dma_start3A_223, %dma_start3A_225, %dma_start3A_226] : memref<5x128x64xf32, #tpu.memory_space<vmem>> -> memref<1x128x64xf32, #tpu.memory_space<vmem>>
        %dma_start3A_228 = tpu.memref_squeeze %dma_start3A_227 : memref<1x128x64xf32, #tpu.memory_space<vmem>> -> memref<128x64xf32, #tpu.memory_space<vmem>>
        %dma_start3A_229 = arith.constant 0 : i32
        %dma_start3A_230 = tpu.memref_slice %arg5[%add3A_159, %dma_start3A_229] : memref<50x128xi32, #tpu.memory_space<vmem>> -> memref<1x128xi32, #tpu.memory_space<vmem>>
        %dma_start3A_231 = tpu.memref_squeeze %dma_start3A_230 : memref<1x128xi32, #tpu.memory_space<vmem>> -> memref<128xi32, #tpu.memory_space<vmem>>
        %dma_start3A_232 = arith.constant 0 : i32
        %dma_start3A_233 = arith.constant 0 : i32
        %dma_start3A_234 = tpu.memref_slice %arg3[%dma_start3A_232, %dma_start3A_233] : memref<1000000x64xf32, #tpu.memory_space<hbm>> -> memref<1000000x64xf32, #tpu.memory_space<hbm>>
        %dma_start3A_235 = tpu.memref_slice %arg7[%dma_start3A_224] : memref<5x!tpu.dma_semaphore, #tpu.memory_space<semaphore_mem>> -> memref<1x!tpu.dma_semaphore, #tpu.memory_space<semaphore_mem>>
        %dma_start3A_236 = tpu.memref_squeeze %dma_start3A_235 : memref<1x!tpu.dma_semaphore, #tpu.memory_space<semaphore_mem>> -> memref<!tpu.dma_semaphore, #tpu.memory_space<semaphore_mem>>
        tpu.enqueue_indirect_dma source(%dma_start3A_234 : memref<1000000x64xf32, #tpu.memory_space<hbm>>) target(%dma_start3A_228 : memref<128x64xf32, #tpu.memory_space<vmem>>) offsets(%dma_start3A_231 : memref<128xi32, #tpu.memory_space<vmem>>) semaphore(%dma_start3A_236 : memref<!tpu.dma_semaphore, #tpu.memory_space<semaphore_mem>>)
      } else {
      }
      %add3A_165 = arith.constant 3 : i32
      %add3A_166 = arith.addi %mul3A_82, %add3A_165 : i32
      %dma_wait3A_167 = arith.constant 3 : i32
      %dma_wait3A_168 = arith.constant 3 : i32
      %dma_wait3A_169 = arith.constant 0 : i32
      %dma_wait3A_170 = arith.constant 0 : i32
      %dma_wait3A_171 = tpu.memref_slice %arg6[%dma_wait3A_167, %dma_wait3A_169, %dma_wait3A_170] : memref<5x128x64xf32, #tpu.memory_space<vmem>> -> memref<1x128x64xf32, #tpu.memory_space<vmem>>
      %dma_wait3A_172 = tpu.memref_squeeze %dma_wait3A_171 : memref<1x128x64xf32, #tpu.memory_space<vmem>> -> memref<128x64xf32, #tpu.memory_space<vmem>>
      %dma_wait3A_173 = arith.constant 0 : i32
      %dma_wait3A_174 = tpu.memref_slice %arg5[%add3A_166, %dma_wait3A_173] : memref<50x128xi32, #tpu.memory_space<vmem>> -> memref<1x128xi32, #tpu.memory_space<vmem>>
      %dma_wait3A_175 = tpu.memref_squeeze %dma_wait3A_174 : memref<1x128xi32, #tpu.memory_space<vmem>> -> memref<128xi32, #tpu.memory_space<vmem>>
      %dma_wait3A_176 = arith.constant 0 : i32
      %dma_wait3A_177 = arith.constant 0 : i32
      %dma_wait3A_178 = tpu.memref_slice %arg3[%dma_wait3A_176, %dma_wait3A_177] : memref<1000000x64xf32, #tpu.memory_space<hbm>> -> memref<1000000x64xf32, #tpu.memory_space<hbm>>
      %dma_wait3A_179 = tpu.memref_slice %arg7[%dma_wait3A_168] : memref<5x!tpu.dma_semaphore, #tpu.memory_space<semaphore_mem>> -> memref<1x!tpu.dma_semaphore, #tpu.memory_space<semaphore_mem>>
      %dma_wait3A_180 = tpu.memref_squeeze %dma_wait3A_179 : memref<1x!tpu.dma_semaphore, #tpu.memory_space<semaphore_mem>> -> memref<!tpu.dma_semaphore, #tpu.memory_space<semaphore_mem>>
      tpu.wait_indirect_dma semaphore(%dma_wait3A_180 : memref<!tpu.dma_semaphore, #tpu.memory_space<semaphore_mem>>) src(%dma_wait3A_178 : memref<1000000x64xf32, #tpu.memory_space<hbm>>) dst(%dma_wait3A_172 : memref<128x64xf32, #tpu.memory_space<vmem>>)
      %mul3A_181 = arith.constant 6400 : i32
      %mul3A_182 = arith.muli %add3A, %mul3A_181 : i32
      %mul3A_183 = arith.constant 128 : i32
      %mul3A_184 = arith.muli %add3A_166, %mul3A_183 : i32
      %add3A_185 = arith.addi %mul3A_182, %mul3A_184 : i32
      %run_scoped3A_186 = arith.constant 3 : i32
      "tpu.region"() ({
        %run_scoped3A_223 = tpu.sem_alloc : memref<!tpu.dma_semaphore, #tpu.memory_space<semaphore_mem>>
        %dma_start3A_224 = arith.constant 0 : i32
        %dma_start3A_225 = arith.constant 0 : i32
        %dma_start3A_226 = tpu.memref_slice %arg6[%run_scoped3A_186, %dma_start3A_224, %dma_start3A_225] : memref<5x128x64xf32, #tpu.memory_space<vmem>> -> memref<1x128x64xf32, #tpu.memory_space<vmem>>
        %dma_start3A_227 = tpu.memref_squeeze %dma_start3A_226 : memref<1x128x64xf32, #tpu.memory_space<vmem>> -> memref<128x64xf32, #tpu.memory_space<vmem>>
        %dma_start3A_228 = arith.constant 0 : i32
        %dma_start3A_229 = tpu.memref_slice %arg4[%add3A_185, %dma_start3A_228] : memref<204800x64xf32, #tpu.memory_space<hbm>> -> memref<128x64xf32, #tpu.memory_space<hbm>>
        %dma_start3A_230 = arith.constant 0 : i32
        %dma_start3A_231 = tpu.memref_slice %arg4[%add3A_185, %dma_start3A_230] : memref<204800x64xf32, #tpu.memory_space<hbm>> -> memref<128x64xf32, #tpu.memory_space<hbm>>
        %dma_start3A_232 = arith.constant 0 : i32
        %dma_start3A_233 = arith.constant 0 : i32
        %dma_start3A_234 = tpu.memref_slice %arg6[%run_scoped3A_186, %dma_start3A_232, %dma_start3A_233] : memref<5x128x64xf32, #tpu.memory_space<vmem>> -> memref<1x128x64xf32, #tpu.memory_space<vmem>>
        %dma_start3A_235 = tpu.memref_squeeze %dma_start3A_234 : memref<1x128x64xf32, #tpu.memory_space<vmem>> -> memref<128x64xf32, #tpu.memory_space<vmem>>
        tpu.enqueue_dma source(%dma_start3A_235 : memref<128x64xf32, #tpu.memory_space<vmem>>) target(%dma_start3A_231 : memref<128x64xf32, #tpu.memory_space<hbm>>) target_semaphore(%run_scoped3A_223 : memref<!tpu.dma_semaphore, #tpu.memory_space<semaphore_mem>>)
        %dma_wait3A_236 = arith.constant 0 : i32
        %dma_wait3A_237 = arith.constant 0 : i32
        %dma_wait3A_238 = tpu.memref_slice %arg6[%run_scoped3A_186, %dma_wait3A_236, %dma_wait3A_237] : memref<5x128x64xf32, #tpu.memory_space<vmem>> -> memref<1x128x64xf32, #tpu.memory_space<vmem>>
        %dma_wait3A_239 = tpu.memref_squeeze %dma_wait3A_238 : memref<1x128x64xf32, #tpu.memory_space<vmem>> -> memref<128x64xf32, #tpu.memory_space<vmem>>
        %dma_wait3A_240 = arith.constant 0 : i32
        %dma_wait3A_241 = tpu.memref_slice %arg4[%add3A_185, %dma_wait3A_240] : memref<204800x64xf32, #tpu.memory_space<hbm>> -> memref<128x64xf32, #tpu.memory_space<hbm>>
        %dma_wait3A_242 = arith.constant 0 : i32
        %dma_wait3A_243 = tpu.memref_slice %arg4[%add3A_185, %dma_wait3A_242] : memref<204800x64xf32, #tpu.memory_space<hbm>> -> memref<128x64xf32, #tpu.memory_space<hbm>>
        %dma_wait3A_244 = arith.constant 0 : i32
        %dma_wait3A_245 = arith.constant 0 : i32
        %dma_wait3A_246 = tpu.memref_slice %arg6[%run_scoped3A_186, %dma_wait3A_244, %dma_wait3A_245] : memref<5x128x64xf32, #tpu.memory_space<vmem>> -> memref<1x128x64xf32, #tpu.memory_space<vmem>>
        %dma_wait3A_247 = tpu.memref_squeeze %dma_wait3A_246 : memref<1x128x64xf32, #tpu.memory_space<vmem>> -> memref<128x64xf32, #tpu.memory_space<vmem>>
        tpu.wait_dma2 semaphore(%run_scoped3A_223 : memref<!tpu.dma_semaphore, #tpu.memory_space<semaphore_mem>>) src(%dma_wait3A_247 : memref<128x64xf32, #tpu.memory_space<vmem>>) dst(%dma_wait3A_243 : memref<128x64xf32, #tpu.memory_space<hbm>>)
        tpu.yield
      }) : () -> ()
      %add3A_187 = arith.constant 5 : i32
      %add3A_188 = arith.addi %add3A_166, %add3A_187 : i32
      %lt3A_189 = arith.constant 50 : i32
      %lt3A_190 = arith.cmpi slt, %add3A_188, %lt3A_189 : i32
      %convert_element_type3A_191 = arith.extui %lt3A_190 : i1 to i32
      %cond3A_192 = arith.constant 0 : i32
      %cond3A_193 = arith.cmpi ne, %convert_element_type3A_191, %cond3A_192 : i32
      scf.if %cond3A_193 {
        %dma_start3A_223 = arith.constant 3 : i32
        %dma_start3A_224 = arith.constant 3 : i32
        %dma_start3A_225 = arith.constant 0 : i32
        %dma_start3A_226 = arith.constant 0 : i32
        %dma_start3A_227 = tpu.memref_slice %arg6[%dma_start3A_223, %dma_start3A_225, %dma_start3A_226] : memref<5x128x64xf32, #tpu.memory_space<vmem>> -> memref<1x128x64xf32, #tpu.memory_space<vmem>>
        %dma_start3A_228 = tpu.memref_squeeze %dma_start3A_227 : memref<1x128x64xf32, #tpu.memory_space<vmem>> -> memref<128x64xf32, #tpu.memory_space<vmem>>
        %dma_start3A_229 = arith.constant 0 : i32
        %dma_start3A_230 = tpu.memref_slice %arg5[%add3A_188, %dma_start3A_229] : memref<50x128xi32, #tpu.memory_space<vmem>> -> memref<1x128xi32, #tpu.memory_space<vmem>>
        %dma_start3A_231 = tpu.memref_squeeze %dma_start3A_230 : memref<1x128xi32, #tpu.memory_space<vmem>> -> memref<128xi32, #tpu.memory_space<vmem>>
        %dma_start3A_232 = arith.constant 0 : i32
        %dma_start3A_233 = arith.constant 0 : i32
        %dma_start3A_234 = tpu.memref_slice %arg3[%dma_start3A_232, %dma_start3A_233] : memref<1000000x64xf32, #tpu.memory_space<hbm>> -> memref<1000000x64xf32, #tpu.memory_space<hbm>>
        %dma_start3A_235 = tpu.memref_slice %arg7[%dma_start3A_224] : memref<5x!tpu.dma_semaphore, #tpu.memory_space<semaphore_mem>> -> memref<1x!tpu.dma_semaphore, #tpu.memory_space<semaphore_mem>>
        %dma_start3A_236 = tpu.memref_squeeze %dma_start3A_235 : memref<1x!tpu.dma_semaphore, #tpu.memory_space<semaphore_mem>> -> memref<!tpu.dma_semaphore, #tpu.memory_space<semaphore_mem>>
        tpu.enqueue_indirect_dma source(%dma_start3A_234 : memref<1000000x64xf32, #tpu.memory_space<hbm>>) target(%dma_start3A_228 : memref<128x64xf32, #tpu.memory_space<vmem>>) offsets(%dma_start3A_231 : memref<128xi32, #tpu.memory_space<vmem>>) semaphore(%dma_start3A_236 : memref<!tpu.dma_semaphore, #tpu.memory_space<semaphore_mem>>)
      } else {
      }
      %add3A_194 = arith.constant 4 : i32
      %add3A_195 = arith.addi %mul3A_82, %add3A_194 : i32
      %dma_wait3A_196 = arith.constant 4 : i32
      %dma_wait3A_197 = arith.constant 4 : i32
      %dma_wait3A_198 = arith.constant 0 : i32
      %dma_wait3A_199 = arith.constant 0 : i32
      %dma_wait3A_200 = tpu.memref_slice %arg6[%dma_wait3A_196, %dma_wait3A_198, %dma_wait3A_199] : memref<5x128x64xf32, #tpu.memory_space<vmem>> -> memref<1x128x64xf32, #tpu.memory_space<vmem>>
      %dma_wait3A_201 = tpu.memref_squeeze %dma_wait3A_200 : memref<1x128x64xf32, #tpu.memory_space<vmem>> -> memref<128x64xf32, #tpu.memory_space<vmem>>
      %dma_wait3A_202 = arith.constant 0 : i32
      %dma_wait3A_203 = tpu.memref_slice %arg5[%add3A_195, %dma_wait3A_202] : memref<50x128xi32, #tpu.memory_space<vmem>> -> memref<1x128xi32, #tpu.memory_space<vmem>>
      %dma_wait3A_204 = tpu.memref_squeeze %dma_wait3A_203 : memref<1x128xi32, #tpu.memory_space<vmem>> -> memref<128xi32, #tpu.memory_space<vmem>>
      %dma_wait3A_205 = arith.constant 0 : i32
      %dma_wait3A_206 = arith.constant 0 : i32
      %dma_wait3A_207 = tpu.memref_slice %arg3[%dma_wait3A_205, %dma_wait3A_206] : memref<1000000x64xf32, #tpu.memory_space<hbm>> -> memref<1000000x64xf32, #tpu.memory_space<hbm>>
      %dma_wait3A_208 = tpu.memref_slice %arg7[%dma_wait3A_197] : memref<5x!tpu.dma_semaphore, #tpu.memory_space<semaphore_mem>> -> memref<1x!tpu.dma_semaphore, #tpu.memory_space<semaphore_mem>>
      %dma_wait3A_209 = tpu.memref_squeeze %dma_wait3A_208 : memref<1x!tpu.dma_semaphore, #tpu.memory_space<semaphore_mem>> -> memref<!tpu.dma_semaphore, #tpu.memory_space<semaphore_mem>>
      tpu.wait_indirect_dma semaphore(%dma_wait3A_209 : memref<!tpu.dma_semaphore, #tpu.memory_space<semaphore_mem>>) src(%dma_wait3A_207 : memref<1000000x64xf32, #tpu.memory_space<hbm>>) dst(%dma_wait3A_201 : memref<128x64xf32, #tpu.memory_space<vmem>>)
      %mul3A_210 = arith.constant 6400 : i32
      %mul3A_211 = arith.muli %add3A, %mul3A_210 : i32
      %mul3A_212 = arith.constant 128 : i32
      %mul3A_213 = arith.muli %add3A_195, %mul3A_212 : i32
      %add3A_214 = arith.addi %mul3A_211, %mul3A_213 : i32
      %run_scoped3A_215 = arith.constant 4 : i32
      "tpu.region"() ({
        %run_scoped3A_223 = tpu.sem_alloc : memref<!tpu.dma_semaphore, #tpu.memory_space<semaphore_mem>>
        %dma_start3A_224 = arith.constant 0 : i32
        %dma_start3A_225 = arith.constant 0 : i32
        %dma_start3A_226 = tpu.memref_slice %arg6[%run_scoped3A_215, %dma_start3A_224, %dma_start3A_225] : memref<5x128x64xf32, #tpu.memory_space<vmem>> -> memref<1x128x64xf32, #tpu.memory_space<vmem>>
        %dma_start3A_227 = tpu.memref_squeeze %dma_start3A_226 : memref<1x128x64xf32, #tpu.memory_space<vmem>> -> memref<128x64xf32, #tpu.memory_space<vmem>>
        %dma_start3A_228 = arith.constant 0 : i32
        %dma_start3A_229 = tpu.memref_slice %arg4[%add3A_214, %dma_start3A_228] : memref<204800x64xf32, #tpu.memory_space<hbm>> -> memref<128x64xf32, #tpu.memory_space<hbm>>
        %dma_start3A_230 = arith.constant 0 : i32
        %dma_start3A_231 = tpu.memref_slice %arg4[%add3A_214, %dma_start3A_230] : memref<204800x64xf32, #tpu.memory_space<hbm>> -> memref<128x64xf32, #tpu.memory_space<hbm>>
        %dma_start3A_232 = arith.constant 0 : i32
        %dma_start3A_233 = arith.constant 0 : i32
        %dma_start3A_234 = tpu.memref_slice %arg6[%run_scoped3A_215, %dma_start3A_232, %dma_start3A_233] : memref<5x128x64xf32, #tpu.memory_space<vmem>> -> memref<1x128x64xf32, #tpu.memory_space<vmem>>
        %dma_start3A_235 = tpu.memref_squeeze %dma_start3A_234 : memref<1x128x64xf32, #tpu.memory_space<vmem>> -> memref<128x64xf32, #tpu.memory_space<vmem>>
        tpu.enqueue_dma source(%dma_start3A_235 : memref<128x64xf32, #tpu.memory_space<vmem>>) target(%dma_start3A_231 : memref<128x64xf32, #tpu.memory_space<hbm>>) target_semaphore(%run_scoped3A_223 : memref<!tpu.dma_semaphore, #tpu.memory_space<semaphore_mem>>)
        %dma_wait3A_236 = arith.constant 0 : i32
        %dma_wait3A_237 = arith.constant 0 : i32
        %dma_wait3A_238 = tpu.memref_slice %arg6[%run_scoped3A_215, %dma_wait3A_236, %dma_wait3A_237] : memref<5x128x64xf32, #tpu.memory_space<vmem>> -> memref<1x128x64xf32, #tpu.memory_space<vmem>>
        %dma_wait3A_239 = tpu.memref_squeeze %dma_wait3A_238 : memref<1x128x64xf32, #tpu.memory_space<vmem>> -> memref<128x64xf32, #tpu.memory_space<vmem>>
        %dma_wait3A_240 = arith.constant 0 : i32
        %dma_wait3A_241 = tpu.memref_slice %arg4[%add3A_214, %dma_wait3A_240] : memref<204800x64xf32, #tpu.memory_space<hbm>> -> memref<128x64xf32, #tpu.memory_space<hbm>>
        %dma_wait3A_242 = arith.constant 0 : i32
        %dma_wait3A_243 = tpu.memref_slice %arg4[%add3A_214, %dma_wait3A_242] : memref<204800x64xf32, #tpu.memory_space<hbm>> -> memref<128x64xf32, #tpu.memory_space<hbm>>
        %dma_wait3A_244 = arith.constant 0 : i32
        %dma_wait3A_245 = arith.constant 0 : i32
        %dma_wait3A_246 = tpu.memref_slice %arg6[%run_scoped3A_215, %dma_wait3A_244, %dma_wait3A_245] : memref<5x128x64xf32, #tpu.memory_space<vmem>> -> memref<1x128x64xf32, #tpu.memory_space<vmem>>
        %dma_wait3A_247 = tpu.memref_squeeze %dma_wait3A_246 : memref<1x128x64xf32, #tpu.memory_space<vmem>> -> memref<128x64xf32, #tpu.memory_space<vmem>>
        tpu.wait_dma2 semaphore(%run_scoped3A_223 : memref<!tpu.dma_semaphore, #tpu.memory_space<semaphore_mem>>) src(%dma_wait3A_247 : memref<128x64xf32, #tpu.memory_space<vmem>>) dst(%dma_wait3A_243 : memref<128x64xf32, #tpu.memory_space<hbm>>)
        tpu.yield
      }) : () -> ()
      %add3A_216 = arith.constant 5 : i32
      %add3A_217 = arith.addi %add3A_195, %add3A_216 : i32
      %lt3A_218 = arith.constant 50 : i32
      %lt3A_219 = arith.cmpi slt, %add3A_217, %lt3A_218 : i32
      %convert_element_type3A_220 = arith.extui %lt3A_219 : i1 to i32
      %cond3A_221 = arith.constant 0 : i32
      %cond3A_222 = arith.cmpi ne, %convert_element_type3A_220, %cond3A_221 : i32
      scf.if %cond3A_222 {
        %dma_start3A_223 = arith.constant 4 : i32
        %dma_start3A_224 = arith.constant 4 : i32
        %dma_start3A_225 = arith.constant 0 : i32
        %dma_start3A_226 = arith.constant 0 : i32
        %dma_start3A_227 = tpu.memref_slice %arg6[%dma_start3A_223, %dma_start3A_225, %dma_start3A_226] : memref<5x128x64xf32, #tpu.memory_space<vmem>> -> memref<1x128x64xf32, #tpu.memory_space<vmem>>
        %dma_start3A_228 = tpu.memref_squeeze %dma_start3A_227 : memref<1x128x64xf32, #tpu.memory_space<vmem>> -> memref<128x64xf32, #tpu.memory_space<vmem>>
        %dma_start3A_229 = arith.constant 0 : i32
        %dma_start3A_230 = tpu.memref_slice %arg5[%add3A_217, %dma_start3A_229] : memref<50x128xi32, #tpu.memory_space<vmem>> -> memref<1x128xi32, #tpu.memory_space<vmem>>
        %dma_start3A_231 = tpu.memref_squeeze %dma_start3A_230 : memref<1x128xi32, #tpu.memory_space<vmem>> -> memref<128xi32, #tpu.memory_space<vmem>>
        %dma_start3A_232 = arith.constant 0 : i32
        %dma_start3A_233 = arith.constant 0 : i32
        %dma_start3A_234 = tpu.memref_slice %arg3[%dma_start3A_232, %dma_start3A_233] : memref<1000000x64xf32, #tpu.memory_space<hbm>> -> memref<1000000x64xf32, #tpu.memory_space<hbm>>
        %dma_start3A_235 = tpu.memref_slice %arg7[%dma_start3A_224] : memref<5x!tpu.dma_semaphore, #tpu.memory_space<semaphore_mem>> -> memref<1x!tpu.dma_semaphore, #tpu.memory_space<semaphore_mem>>
        %dma_start3A_236 = tpu.memref_squeeze %dma_start3A_235 : memref<1x!tpu.dma_semaphore, #tpu.memory_space<semaphore_mem>> -> memref<!tpu.dma_semaphore, #tpu.memory_space<semaphore_mem>>
        tpu.enqueue_indirect_dma source(%dma_start3A_234 : memref<1000000x64xf32, #tpu.memory_space<hbm>>) target(%dma_start3A_228 : memref<128x64xf32, #tpu.memory_space<vmem>>) offsets(%dma_start3A_231 : memref<128xi32, #tpu.memory_space<vmem>>) semaphore(%dma_start3A_236 : memref<!tpu.dma_semaphore, #tpu.memory_space<semaphore_mem>>)
      } else {
      }
    }
    %scan3A_79 = arith.constant 10 : i32
    return
  }
}

module attributes {stable_mosaic.version = 14 : i64} {
  func.func @_gru_body(%arg0: i32, %arg1: memref<1x2048x128xf32, #tpu.memory_space<vmem>>, %arg2: memref<128x384xf32, #tpu.memory_space<vmem>>, %arg3: memref<128x384xf32, #tpu.memory_space<vmem>>, %arg4: memref<1x384xf32, #tpu.memory_space<vmem>>, %arg5: memref<1x384xf32, #tpu.memory_space<vmem>>, %arg6: memref<2048x128xf32, #tpu.memory_space<vmem>>, %arg7: memref<2048x128xf32, #tpu.memory_space<vmem>>) attributes {dimension_semantics = [#tpu.dimension_semantics<arbitrary>], iteration_bounds = array<i64: 50>, scalar_prefetch = 0 : i64, scratch_operands = 1 : i64, tpu.core_type = #tpu.core_type<tc>, window_params = [{transform_indices = @transform_0, window_bounds = array<i64: 1, 2048, 128>}, {pipeline_mode = #tpu.pipeline_mode<synchronous>, transform_indices = @transform_1, window_bounds = array<i64: 128, 384>}, {pipeline_mode = #tpu.pipeline_mode<synchronous>, transform_indices = @transform_2, window_bounds = array<i64: 128, 384>}, {pipeline_mode = #tpu.pipeline_mode<synchronous>, transform_indices = @transform_3, window_bounds = array<i64: 1, 384>}, {pipeline_mode = #tpu.pipeline_mode<synchronous>, transform_indices = @transform_4, window_bounds = array<i64: 1, 384>}, {pipeline_mode = #tpu.pipeline_mode<synchronous>, transform_indices = @transform_5, window_bounds = array<i64: 2048, 128>}]} {
    %eq3A = arith.constant 0 : i32
    %eq3A_0 = arith.cmpi eq, %arg0, %eq3A : i32
    %convert_element_type3A = arith.extui %eq3A_0 : i1 to i32
    %cond3A = arith.constant 0 : i32
    %cond3A_1 = arith.cmpi ne, %convert_element_type3A, %cond3A : i32
    scf.if %cond3A_1 {
      %broadcast_in_dim3A = arith.constant 0.000000e+00 : f32
      %broadcast_in_dim3A_58 = vector.broadcast %broadcast_in_dim3A : f32 to vector<2048x128xf32>
      %swap3A_59 = arith.constant 0 : index
      %swap3A_60 = arith.constant 0 : index
      %swap3A_61 = vector.load %arg7[%swap3A_59, %swap3A_60] : memref<2048x128xf32, #tpu.memory_space<vmem>>, vector<2048x128xf32>
      tpu.vector_store %arg7[%swap3A_59, %swap3A_60], %broadcast_in_dim3A_58 {strides = array<i32>} : memref<2048x128xf32, #tpu.memory_space<vmem>>, vector<2048x128xf32>,
    } else {
    }
    %get3A = arith.constant 0 : index
    %get3A_2 = arith.constant 0 : index
    %get3A_3 = arith.constant 0 : index
    %get3A_4 = vector.load %arg1[%get3A, %get3A_2, %get3A_3] : memref<1x2048x128xf32, #tpu.memory_space<vmem>>, vector<1x2048x128xf32>
    %get3A_5 = vector.shape_cast %get3A_4 : vector<1x2048x128xf32> to vector<2048x128xf32>
    %get3A_6 = arith.constant 0 : index
    %get3A_7 = arith.constant 0 : index
    %get3A_8 = vector.load %arg7[%get3A_6, %get3A_7] : memref<2048x128xf32, #tpu.memory_space<vmem>>, vector<2048x128xf32>
    %get3A_9 = arith.constant 0 : index
    %get3A_10 = arith.constant 0 : index
    %get3A_11 = vector.load %arg2[%get3A_9, %get3A_10] : memref<128x384xf32, #tpu.memory_space<vmem>>, vector<128x384xf32>
    %dot_general3A = arith.constant dense<0.000000e+00> : vector<2048x384xf32>
    %dot_general3A_12 = tpu.matmul %get3A_5, %get3A_11, %dot_general3A {dimension_numbers = #tpu.dot_dimension_numbers<[1], [0], [0], [1], [0, 0, 1, 1], [], []>, transpose_lhs_hint = false} : vector<2048x128xf32>, vector<128x384xf32>, vector<2048x384xf32> -> vector<2048x384xf32>
    %get3A_13 = arith.constant 0 : index
    %get3A_14 = arith.constant 0 : index
    %get3A_15 = vector.load %arg4[%get3A_13, %get3A_14] : memref<1x384xf32, #tpu.memory_space<vmem>>, vector<1x384xf32>
    %add3A = vector.broadcast %get3A_15 : vector<1x384xf32> to vector<2048x384xf32>
    %add3A_16 = arith.addf %dot_general3A_12, %add3A : vector<2048x384xf32>
    %get3A_17 = arith.constant 0 : index
    %get3A_18 = arith.constant 0 : index
    %get3A_19 = vector.load %arg3[%get3A_17, %get3A_18] : memref<128x384xf32, #tpu.memory_space<vmem>>, vector<128x384xf32>
    %dot_general3A_20 = arith.constant dense<0.000000e+00> : vector<2048x384xf32>
    %dot_general3A_21 = tpu.matmul %get3A_8, %get3A_19, %dot_general3A_20 {dimension_numbers = #tpu.dot_dimension_numbers<[1], [0], [0], [1], [0, 0, 1, 1], [], []>, transpose_lhs_hint = false} : vector<2048x128xf32>, vector<128x384xf32>, vector<2048x384xf32> -> vector<2048x384xf32>
    %get3A_22 = arith.constant 0 : index
    %get3A_23 = arith.constant 0 : index
    %get3A_24 = vector.load %arg5[%get3A_22, %get3A_23] : memref<1x384xf32, #tpu.memory_space<vmem>>, vector<1x384xf32>
    %add3A_25 = vector.broadcast %get3A_24 : vector<1x384xf32> to vector<2048x384xf32>
    %add3A_26 = arith.addf %dot_general3A_21, %add3A_25 : vector<2048x384xf32>
    %slice3A = vector.extract_strided_slice %add3A_16 {offsets = [0, 0], sizes = [2048, 128], strides = [1, 1]} : vector<2048x384xf32> to vector<2048x128xf32>
    %slice3A_27 = vector.extract_strided_slice %add3A_26 {offsets = [0, 0], sizes = [2048, 128], strides = [1, 1]} : vector<2048x384xf32> to vector<2048x128xf32>
    %add3A_28 = arith.addf %slice3A, %slice3A_27 : vector<2048x128xf32>
    %logistic3A = arith.negf %add3A_28 : vector<2048x128xf32>
    %logistic3A_29 = math.exp %logistic3A : vector<2048x128xf32>
    %logistic3A_30 = arith.constant 1.000000e+00 : f32
    %logistic3A_31 = vector.broadcast %logistic3A_30 : f32 to vector<2048x128xf32>
    %logistic3A_32 = arith.addf %logistic3A_31, %logistic3A_29 : vector<2048x128xf32>
    %logistic3A_33 = arith.divf %logistic3A_31, %logistic3A_32 : vector<2048x128xf32>
    %slice3A_34 = vector.extract_strided_slice %add3A_16 {offsets = [0, 128], sizes = [2048, 128], strides = [1, 1]} : vector<2048x384xf32> to vector<2048x128xf32>
    %slice3A_35 = vector.extract_strided_slice %add3A_26 {offsets = [0, 128], sizes = [2048, 128], strides = [1, 1]} : vector<2048x384xf32> to vector<2048x128xf32>
    %add3A_36 = arith.addf %slice3A_34, %slice3A_35 : vector<2048x128xf32>
    %logistic3A_37 = arith.negf %add3A_36 : vector<2048x128xf32>
    %logistic3A_38 = math.exp %logistic3A_37 : vector<2048x128xf32>
    %logistic3A_39 = arith.constant 1.000000e+00 : f32
    %logistic3A_40 = vector.broadcast %logistic3A_39 : f32 to vector<2048x128xf32>
    %logistic3A_41 = arith.addf %logistic3A_40, %logistic3A_38 : vector<2048x128xf32>
    %logistic3A_42 = arith.divf %logistic3A_40, %logistic3A_41 : vector<2048x128xf32>
    %slice3A_43 = vector.extract_strided_slice %add3A_16 {offsets = [0, 256], sizes = [2048, 128], strides = [1, 1]} : vector<2048x384xf32> to vector<2048x128xf32>
    %slice3A_44 = vector.extract_strided_slice %add3A_26 {offsets = [0, 256], sizes = [2048, 128], strides = [1, 1]} : vector<2048x384xf32> to vector<2048x128xf32>
    %mul3A = arith.mulf %logistic3A_33, %slice3A_44 : vector<2048x128xf32>
    %add3A_45 = arith.addf %slice3A_43, %mul3A : vector<2048x128xf32>
    %tanh3A = math.tanh %add3A_45 : vector<2048x128xf32>
    %sub3A = arith.constant 1.000000e+00 : f32
    %sub3A_46 = vector.broadcast %sub3A : f32 to vector<2048x128xf32>
    %sub3A_47 = arith.subf %sub3A_46, %logistic3A_42 : vector<2048x128xf32>
    %mul3A_48 = arith.mulf %sub3A_47, %tanh3A : vector<2048x128xf32>
    %mul3A_49 = arith.mulf %logistic3A_42, %get3A_8 : vector<2048x128xf32>
    %add3A_50 = arith.addf %mul3A_48, %mul3A_49 : vector<2048x128xf32>
    %swap3A = arith.constant 0 : index
    %swap3A_51 = arith.constant 0 : index
    %swap3A_52 = vector.load %arg7[%swap3A, %swap3A_51] : memref<2048x128xf32, #tpu.memory_space<vmem>>, vector<2048x128xf32>
    tpu.vector_store %arg7[%swap3A, %swap3A_51], %add3A_50 {strides = array<i32>} : memref<2048x128xf32, #tpu.memory_space<vmem>>, vector<2048x128xf32>,
    %eq3A_53 = arith.constant 49 : i32
    %eq3A_54 = arith.cmpi eq, %arg0, %eq3A_53 : i32
    %convert_element_type3A_55 = arith.extui %eq3A_54 : i1 to i32
    %cond3A_56 = arith.constant 0 : i32
    %cond3A_57 = arith.cmpi ne, %convert_element_type3A_55, %cond3A_56 : i32
    scf.if %cond3A_57 {
      %swap3A_58 = arith.constant 0 : index
      %swap3A_59 = arith.constant 0 : index
      %swap3A_60 = vector.load %arg6[%swap3A_58, %swap3A_59] : memref<2048x128xf32, #tpu.memory_space<vmem>>, vector<2048x128xf32>
      tpu.vector_store %arg6[%swap3A_58, %swap3A_59], %add3A_50 {strides = array<i32>} : memref<2048x128xf32, #tpu.memory_space<vmem>>, vector<2048x128xf32>,
    } else {
    }
    return
  }
  func.func @transform_0(%arg0: i32) -> (i32, i32, i32) {
    %c0_i32 = arith.constant 0 : i32
    %c0_i32_0 = arith.constant 0 : i32
    %c0_i32_1 = arith.constant 0 : i32
    return %arg0, %c0_i32, %c0_i32_0 : i32, i32, i32
  }
  func.func @transform_1(%arg0: i32) -> (i32, i32) {
    %c0_i32 = arith.constant 0 : i32
    %c0_i32_0 = arith.constant 0 : i32
    %c0_i32_1 = arith.constant 0 : i32
    return %c0_i32, %c0_i32_0 : i32, i32
  }
  func.func @transform_2(%arg0: i32) -> (i32, i32) {
    %c0_i32 = arith.constant 0 : i32
    %c0_i32_0 = arith.constant 0 : i32
    %c0_i32_1 = arith.constant 0 : i32
    return %c0_i32, %c0_i32_0 : i32, i32
  }
  func.func @transform_3(%arg0: i32) -> (i32, i32) {
    %c0_i32 = arith.constant 0 : i32
    %c0_i32_0 = arith.constant 0 : i32
    %c0_i32_1 = arith.constant 0 : i32
    return %c0_i32, %c0_i32_0 : i32, i32
  }
  func.func @transform_4(%arg0: i32) -> (i32, i32) {
    %c0_i32 = arith.constant 0 : i32
    %c0_i32_0 = arith.constant 0 : i32
    %c0_i32_1 = arith.constant 0 : i32
    return %c0_i32, %c0_i32_0 : i32, i32
  }
  func.func @transform_5(%arg0: i32) -> (i32, i32) {
    %c0_i32 = arith.constant 0 : i32
    %c0_i32_0 = arith.constant 0 : i32
    %c0_i32_1 = arith.constant 0 : i32
    return %c0_i32, %c0_i32_0 : i32, i32
  }
}

</mosaic_0001>

<sc_bundles>
// kernel: kernel.4.cloned.1.call-start
scs
__scs_entry_jumppad:
0x0: {  	(pc) =	sbr.rel $0x88, $3  }
0x1: {  	(tag) =	ssettag $0x0;
	lr =	simm.s32 $0x1  }
0x2: {  	[smem:$0x3F9B] =	sst lr;
	_ =	strace $0xD0000000  }
0x3: {  	_ = 	snop  }
0x4: {  	_ = 	snop  }
0x5: {  	_ = 	snop  }
0x6: {  	_ = 	snop  }
0x7: {  	_ = 	snop  }
__scs_overlays_trampoline_lowered:
0x8: {  	[smem:$0x3FAA] =	sst s0  }
0x9: {  	[smem:$0x3FAB] =	sst s1  }
0xa: {  	[smem:$0x3FAC] =	sst s2  }
0xb: {  	[smem:$0x3FAD] =	sst s3  }
0xc: {  	[smem:$0x3FAE] =	sst s4  }
0xd: {  	[smem:$0x3FAF] =	sst s5  }
0xe: {  	[smem:$0x3FB0] =	sst s6  }
0xf: {  	[smem:$0x3FB1] =	sst s7  }
0x10: {  	[smem:$0x3FB2] =	sst s8  }
0x11: {  	[smem:$0x3FB3] =	sst s9;
	s0 =	simm.s32 @!p0 $0x0  }
0x12: {  	s1 =	sld [smem:$0x3F99];
	s0 =	simm.s32 @p0 $0x1  }
0x13: {  	[smem:$0x3FB4] =	sst s0;
	s0 =	simm.s32 @!p1 $0x0  }
0x14: {  	s2 =	sld [smem:$0x3F98];
	s0 =	simm.s32 @p1 $0x1  }
0x15: {  	[smem:$0x3FB5] =	sst s0;
	s0 =	simm.s32 @!p2 $0x0  }
0x16: {  	s3 =	sld [smem:$0x3FDB];
	s0 =	simm.s32 @p2 $0x1  }
0x17: {  	s4 =	simm.s32 $0x1BF5;
	[smem:$0x3FB7] =	sst s0  }
0x18: {  	s0 =	sld [smem:$0x3F9A];
	_ =	swait.ge [sflag:s4], $0x0  }
0x19: {  	s7 =	sld [smem:$0x3F9B]  }
0x1a: {  	s8 =	sadd.s32 $0xFFFFE003, lr  }
0x1b: {  	s9 =	sadd.s32 $0xFFFFFEF7, lr;
	s5 =	simm.s32 $0xFFFFFFFF;
	p2 =	slt.u32 s8, $0xFFFFF086  }
0x1c: {  	p1 =	slt.u32 s9, $0xF7A;
	s5 =	simm.s32 @!p2 $0x0  }
0x1d: {  	s5 =	simm.s32 @p1 $0x1;
	p0 =	seq.s32 s7, s2  }
0x1e: {  	s7 =	smul.u32 @!p0 $0xF7A, s2;
	p2 =	seq.s32 @!p0 s5, $0x0  }
0x1f: {  	s9 =	smul.u32 $0xF7A, s1;
	s8 =	simm.s32 @!p0 $0x1BF5;
	p2 =	por !p2, p0  }
0x20: {  	[sflag:s8] =	ssyncset.s32 @!p0 $0xFFFFF086;
	s6 =	sadd.s32 @!p0 s3, s7;
	s7 =	simm.s32 @!p0 $0x108  }
0x21: {  	s3 =	sadd.s32 s3, s9;
	s6 =	sadd.s32 @!p0 $0x88, s6;
	s7 =	simm.s32 @p2 $0x1082  }
0x22: {  	[simem:s7], [sflag:s8] =	dma.local @!p0 [hbm:s6], $0xF7A  }
0x23: {  	s9 =	sor.u32 $0xD0000000, s2;
	s6 =	simm.s32 $0x108;
	_ =	swait.ge @!p0 [sflag:s8], $0x0  }
0x24: {  	s3 =	sadd.s32 $0x88, s3;
	s6 =	simm.s32 @!p1 $0x1082;
	[sflag:s4] =	ssyncset.s32 $0xFFFFF086  }
0x25: {  	[simem:s6], [sflag:s4] =	dma.local [hbm:s3], $0xF7A  }
0x26: {  	[smem:$0x3F9B] =	sst s1;
	(tag) =	ssettag s2;
	_ =	strace s9  }
0x27: {  	s1 =	sld [smem:$0x3FAB]  }
0x28: {  	s2 =	sld [smem:$0x3FAC]  }
0x29: {  	s4 =	sld [smem:$0x3FAE]  }
0x2a: {  	p0 =	seq.s32 s5, $0x0;
	s5 =	sld [smem:$0x3FAF]  }
0x2b: {  	s6 =	sld [smem:$0x3FB0]  }
0x2c: {  	s7 =	sld [smem:$0x3FB1]  }
0x2d: {  	s3 =	simm.s32 $0x108;
	s8 =	sld [smem:$0x3FB2]  }
0x2e: {  	s3 =	simm.s32 @!p0 $0x1082;
	s9 =	sld [smem:$0x3FB3]  }
0x2f: {  	lr =	sadd.s32 s0, s3;
	s0 =	sld [smem:$0x3FAA]  }
0x30: {  	s3 =	sld [smem:$0x3FAD]  }
0x31: {  	[smem:$0x3FB6] =	sst s10  }
0x32: {  	s10 =	sld [smem:$0x3FB4];
	_ =	sdelay $0x3  }
0x33: {  	p0 =	seq.s32 s10, $0x1;
	s10 =	sld [smem:$0x3FB6];
	_ =	sdelay $0x3  }
0x34: {  	[smem:$0x3FB6] =	sst s10  }
0x35: {  	s10 =	sld [smem:$0x3FB5];
	_ =	sdelay $0x3  }
0x36: {  	p1 =	seq.s32 s10, $0x1;
	s10 =	sld [smem:$0x3FB6];
	_ =	sdelay $0x3  }
0x37: {  	[smem:$0x3FB6] =	sst s10  }
0x38: {  	s10 =	sld [smem:$0x3FB7]  }
0x39: {  	_ = 	snop;
	(pc) =	sbr.ind lr, $3  }
0x3a: {  	_ = 	snop  }
0x3b: {  	_ = 	snop  }
0x3c: {  	p2 =	seq.s32 s10, $0x1;
	s10 =	sld [smem:$0x3FB6]  }
0x3d: {  	_ =	shalt  }
0x3e: {  	_ =	shalt  }
0x3f: {  	_ =	shalt  }
0x40: {  	_ =	shalt  }
0x41: {  	_ =	shalt  }
0x42: {  	_ =	shalt  }
0x43: {  	_ =	shalt  }
0x44: {  	_ =	shalt  }
0x45: {  	_ =	shalt  }
0x46: {  	_ =	shalt  }
0x47: {  	_ =	shalt  }
0x48: {  	_ =	shalt  }
0x49: {  	_ =	shalt  }
0x4a: {  	_ =	shalt  }
0x4b: {  	_ =	shalt  }
0x4c: {  	_ =	shalt  }
0x4d: {  	_ =	shalt  }
0x4e: {  	_ =	shalt  }
0x4f: {  	_ =	shalt  }
0x50: {  	_ =	shalt  }
0x51: {  	_ =	shalt  }
0x52: {  	_ =	shalt  }
0x53: {  	_ =	shalt  }
0x54: {  	_ =	shalt  }
0x55: {  	_ =	shalt  }
0x56: {  	_ =	shalt  }
0x57: {  	_ =	shalt  }
0x58: {  	_ =	shalt  }
0x59: {  	_ =	shalt  }
0x5a: {  	_ =	shalt  }
0x5b: {  	_ =	shalt  }
0x5c: {  	_ =	shalt  }
0x5d: {  	_ =	shalt  }
0x5e: {  	_ =	shalt  }
0x5f: {  	_ =	shalt  }
0x60: {  	_ =	shalt  }
0x61: {  	_ =	shalt  }
0x62: {  	_ =	shalt  }
0x63: {  	_ =	shalt  }
0x64: {  	_ =	shalt  }
0x65: {  	_ =	shalt  }
0x66: {  	_ =	shalt  }
0x67: {  	_ =	shalt  }
0x68: {  	_ =	shalt  }
0x69: {  	_ =	shalt  }
0x6a: {  	_ =	shalt  }
0x6b: {  	_ =	shalt  }
0x6c: {  	_ =	shalt  }
0x6d: {  	_ =	shalt  }
0x6e: {  	_ =	shalt  }
0x6f: {  	_ =	shalt  }
0x70: {  	_ =	shalt  }
0x71: {  	_ =	shalt  }
0x72: {  	_ =	shalt  }
0x73: {  	_ =	shalt  }
0x74: {  	_ =	shalt  }
0x75: {  	_ =	shalt  }
0x76: {  	_ =	shalt  }
0x77: {  	_ =	shalt  }
0x78: {  	_ =	shalt  }
0x79: {  	_ =	shalt  }
0x7a: {  	_ =	shalt  }
0x7b: {  	_ =	shalt  }
0x7c: {  	_ =	shalt  }
0x7d: {  	_ =	shalt  }
0x7e: {  	_ =	shalt  }
0x7f: {  	_ =	shalt  }
0x80: {  	_ =	shalt  }
0x81: {  	_ =	shalt  }
0x82: {  	_ =	shalt  }
0x83: {  	_ =	shalt  }
0x84: {  	_ =	shalt  }
0x85: {  	_ =	shalt  }
0x86: {  	_ =	shalt  }
0x87: {  	_ =	shalt  }
.Lfunc_end0:
.L_simem_size_0:
called_computation_lowered:
.L_overlay_start_0:
0x88: {  	s2 =	sld [smem:$0x3FD9]  }
0x89: {  	s3 =	sld [smem:$0x3FFE];
	_ =	sdelay $0x1  }
0x8a: {  	s1 =	srdreg.scid  }
0x8b: {  	s0 =	sand.u32 $0x1, s1  }
0x8c: {  	s17 =	sshll.u32 s0, $0xA;
	s2 =	sadd.s32 s3, s2  }
0x8d: {  	s2 =	sadd.s32 s2, s17  }
0x8e: {  	[smem:$0x3FC2] =	sst s2  }
0x8f: {  	_ = 	snop  }
0x90: {  	s2 =	sld [smem:$0x3FD0];
	(tm) =	ssettm $0x1  }
0x91: {  	s18 =	sld [smem:$0x3FFB];
	_ =	sdelay $0x3  }
0x92: {  	_ =	strace s18  }
0x93: {  	s3 =	sld [smem:$0x3FFC];
	_ =	sdelay $0x3  }
0x94: {  	_ =	strace s3  }
0x95: {  	s3 =	sld [smem:$0x3FFD];
	_ =	sdelay $0x3  }
0x96: {  	_ =	strace s3  }
0x97: {  	_ =	strace $0x8FFFFFFF  }
0x98: {  	s19 =	sld [smem:$0x3FDB];
	_ =	sdelay $0x1  }
0x99: {  	s4 =	simm.s32 $_scs_section_size  }
0x9a: {  	s5 =	simm.s32 $_size__tile_overlayer_lowered;
	s6 =	simm.s32 $_tile_overlayer_lowered  }
0x9b: {  	s22 =	simm.s32 $0x1BFF;
	s21 =	sshll.u32 s6, $0x1;
	s3 =	sadd.s32 s4, s19  }
0x9c: {  	s7 =	simm.s32 $0x0;
	s20 =	sshll.u32 s5, $0x1;
	s5 =	sadd.s32 s21, s3  }
0x9d: {  	[timem:s7], [sflag:s22] =	dma.local [hbm:s5], s20  }
0x9e: {  	_ =	swait.ge [sflag:s22], s20  }
0x9f: {  	s4 =	ssub.s32 $0x0, s20;
	[sflag:s22] =	ssyncset.done $0x0  }
0xa0: {  	[sflag:s22] =	ssyncadd.s32 s4;
	_ =	sdelay $0x1  }
0xa1: {  	s23 =	simm.s32 $0x1B8B  }
0xa2: {  	_ =	swait.ge [sflag:s23], $0x1  }
0xa3: {  	[sflag:s23] =	ssyncset.done $0x0  }
0xa4: {  	s25 =	simm.s32 $0x1B8E;
	s24 =	sld [smem:$0x3FFE];
	[sflag:s23] =	ssyncadd.s32 $0xFFFFFFFF  }
0xa5: {  	s26 =	simm.s32 $execute0_lowered;
	[smem:$0x3FD2] =	sst s25  }
0xa6: {  	s5 =	sshll.u32 s26, $0x1;
	_ =	strace $0x80000046;
	[dreg:$0x1] =	wrdreg $0xFFFFFFFF  }
0xa7: {  	s28 =	simm.s32 $_size_execute0_lowered;
	s3 =	sadd.s32 s3, s5;
	[dreg:$0x0] =	wrdreg $0x0  }
0xa8: {  	s5 =	sshll.u32 s28, $0x1;
	[dreg:$0x2] =	wrdreg s3  }
0xa9: {  	[dreg:$0x3] =	wrdreg s5  }
0xaa: {  	[dreg:$0x4] =	wrdreg $0xC0  }
0xab: {  	_ =	task [dreg:s7], $0x5FFFF  }
0xac: {  	[dreg:$0x1] =	wrdreg $0xFFFFFFFF  }
0xad: {  	[dreg:$0x0] =	wrdreg $0x60  }
0xae: {  	[dreg:$0x2] =	wrdreg s2  }
0xaf: {  	[dreg:$0x3] =	wrdreg s24  }
0xb0: {  	[dreg:$0x4] =	wrdreg $0x9  }
0xb1: {  	_ =	task.clear_ibuf [dreg:s7], $0x5FFFF;
	_ =	strace $0x90000046  }
0xb2: {  	s29 =	simm.s32 $0x9;
	_ =	strace $0x80000048  }
0xb3: {  	_ =	swait.ge [sflag:s29], $0x1  }
0xb4: {  	[sflag:s29] =	ssyncadd.s32 $0xFFFFFFFF  }
0xb5: {  	_ =	strace $0x90000048  }
0xb6: {  	_ =	sfence  }
0xb7: {  	s30 =	sld [smem:$0x0];
	_ =	sdelay $0x2  }
0xb8: {  	s31 =	sshll.u32 s1, $0xD;
	s1 =	sshrl.u32 s1, $0x2  }
0xb9: {  	s3 =	sand.u32 $0x4000, s31;
	s1 =	sadd.s32 s1, s30  }
0xba: {  	s0 =	sor.u32 s3, s0;
	s1 =	sshll.u32 s1, $0x11  }
0xbb: {  	s0 =	sor.u32 s1, s0  }
0xbc: {  	s0 =	sadd.s32 $0x8F2B, s0  }
0xbd: {  	[sflag:s0] =	ssyncadd.remote.s32 $0x1  }
0xbe: {  	_ =	sfence.sel $0xFFFF  }
0xbf: {  	[dreg:$0x0] =	wrdreg $0xFFFFFFFF;
	(pc) =	sbr.abs _section_cstart, $3  }
0xc0: {  	[dreg:$0x1] =	wrdreg $0xFFFFFFFF  }
0xc1: {  	_ =	task.clear_ibuf [dreg:s7], $0x2FFFF;
	_ =	strace $0x9FFFFFFF  }
0xc2: {  	(tm) =	ssettm $0x7FFFFFFF  }
0xc3: {  	_ =	shalt  }
tec
execute0_lowered:
.L_overlay_start_1:
0x0: {  	(tag) =	ssettag $0x1  }
0x1: {  	s0 =	rddreg [dreg:$0x0]  }
0x2: {  	s1 =	rddreg [dreg:$0x1]  }
0x3: {  	s2 =	simm.s32 $0x0;
	s3 =	srdreg.scid;
	s10 =	stileid.u32  }
0x4: {  	s11 =	simm.s32 $0x6;
	s12 =	simm.s32 $0x80;
	s13 =	simm.s32 $0x1900  }
0x5: {  	s14 =	simm.s32 $0x3900;
	s16 =	simm.s32 $0x5900;
	s18 =	simm.s32 $0x7900  }
0x6: {  	s20 =	simm.s32 $0x9900;
	s21 =	simm.s32 $0x1;
	s22 =	simm.s32 $0x2  }
0x7: {  	s23 =	simm.s32 $0x3;
	s24 =	simm.s32 $0x4;
	s25 =	simm.s32 $0x5  }
0x8: {  	s26 =	simm.s32 $0x0;
	s5 =	sand.u32 $0x1, s3;
	s7 =	smul.u32 $0x1900, s10  }
0x9: {  	[smem:$0x7FF] =	sst s2;
	s3 =	sshll.u32 s5, $0x4;
	s4 =	smul.u32 $0x19000, s5  }
0xa: {  	_ =	strace $0x80000047;
	s8 =	ssub.s32 $0x2, s5;
	s31 =	smul.u32 $0xC8000, s5  }
0xb: {  	s6 =	sor.u32 s10, s3;
	s3 =	sadd.s32 $0xF43A00, s1;
	s10 =	smul.u32 $0xC800, s10  }
0xc: {  	s1 =	sadd.s32 $0x1600, s1;
	s9 =	sshrl.u32 s8, $0x1;
	s6 =	smul.u32 $0x1900, s6  }
.Ltmp0:
0xd: {  	s4 =	sadd.s32 s7, s4;
	s28 =	ssub.s32 s8, s9;
	(pc) =	sbr.rel .LBB2_1-.Ltmp0, $4  }
0xe: {  	s29 =	sshll.u32 s4, $0x3;
	s5 =	smax.u32 s28, $0x1;
	s6 =	sshrl.u32 s6, $0x3  }
0xf: {  	s30 =	sadd.s32 s29, s1;
	s1 =	sadd.s32 s31, s1;
	s0 =	sadd.s32 s0, s6  }
0x10: {  	s7 =	sadd.s32 $0xC00, s30;
	s8 =	sadd.s32 $0x800, s30;
	s9 =	sadd.s32 $0x400, s30  }
0x11: {  	s10 =	sadd.s32 s10, s1;
	[dreg:$0x3] =	wrdreg s0;
	s0 =	sadd.s32 $0x1000, s30  }
.LBB2_4:
0x12: {  	s26 =	sadd.s32 $0x1, s26  }
0x13: {  	p0 =	sne.s32 s26, s5  }
.Ltmp1:
0x14: {  	_ = 	snop;
	(pc) =	sbr.rel @!p0 .LBB2_5-.Ltmp1, $1  }
0x15: {  	_ =	sdelay $0x3  }
.LBB2_1:
0x16: {  	s1 =	rddreg [dreg:$0x3]  }
0x17: {  	[tilespmem:s2], [sflag:$0x6] =	stream.linear.gather [hbm4b:s1+s2], $0x1900, $0x38;
	[tilespmem:$0xB900] =	vst v63  }
0x18: {  	_ =	swait.ge [sflag:s11], $0x1900  }
0x19: {  	[sflag:s11] =	ssyncset.done $0x0  }
0x1a: {  	[sflag:s11] =	ssyncadd.s32 $0xFFFFE700  }
0x1b: {  	[tilespmem:s13], [sflag:$0x1] =	stream.indirect.gather [hbm4b:s3+s12], $0x40, s2, s12, $0xb8;
	[tilespmem:$0xB900] =	vst v63  }
0x1c: {  	_ = 	snop  }
0x1d: {  	[tilespmem:s14], [sflag:$0x2] =	stream.indirect.gather [hbm4b:s3+s12], $0x40, s12, s12, $0xb8;
	[tilespmem:$0xB900] =	vst v63  }
0x1e: {  	s15 =	simm.s32 $0x100;
	s17 =	simm.s32 $0x180;
	s19 =	simm.s32 $0x200  }
0x1f: {  	[tilespmem:s16], [sflag:$0x3] =	stream.indirect.gather [hbm4b:s3+s12], $0x40, s15, s12, $0xb8;
	[tilespmem:$0xB900] =	vst v63  }
0x20: {  	s28 =	smov.u32 s10;
	s29 =	smov.u32 s9;
	s30 =	smov.u32 s8  }
0x21: {  	[tilespmem:s18], [sflag:$0x4] =	stream.indirect.gather [hbm4b:s3+s12], $0x40, s17, s12, $0xb8;
	[tilespmem:$0xB900] =	vst v63  }
0x22: {  	s31 =	smov.u32 s7;
	s6 =	smov.u32 s0;
	s1 =	simm.s32 $0x0  }
0x23: {  	[tilespmem:s20], [sflag:$0x5] =	stream.indirect.gather [hbm4b:s3+s12], $0x40, s19, s12, $0xb8;
	[tilespmem:$0xB900] =	vst v63  }
.LBB2_2:
0x24: {  	_ =	swait.ge [sflag:s21], $0x2000  }
0x25: {  	[sflag:s21] =	ssyncset.done $0x0  }
0x26: {  	[sflag:s21] =	ssyncadd.s32 $0xFFFFE000  }
0x27: {  	[hbm4b:s28+s2] =	stream.linear.scatter [tilespmem:s13], [sflag:$0x6], $0x2000, $0x38;
	[tilespmem:$0xB900] =	vst v63  }
0x28: {  	p0 =	seq.s32 s1, $0x5A00;
	_ =	swait.ge [sflag:s11], $0x2000  }
0x29: {  	s15 =	sshra.s32 @!p0 s1, $0x2;
	s19 =	simm.s32 @!p0 $0x80;
	[sflag:s11] =	ssyncset.done $0x0  }
0x2a: {  	s4 =	simm.s32 @!p0 $0x1900;
	s17 =	sadd.s32 @!p0 $0x280, s15;
	[sflag:s11] =	ssyncadd.s32 $0xFFFFE000  }
0x2b: {  	[tilespmem:s4], [sflag:$0x1] =	stream.indirect.gather @!p0 [hbm4b:s3+s19], $0x40, s17, s19, $0xb8;
	[tilespmem:$0xB900] =	vst v63  }
0x2c: {  	_ =	swait.ge [sflag:s22], $0x2000  }
0x2d: {  	[sflag:s22] =	ssyncset.done $0x0  }
0x2e: {  	[sflag:s22] =	ssyncadd.s32 $0xFFFFE000  }
0x2f: {  	[hbm4b:s29+s2] =	stream.linear.scatter [tilespmem:s14], [sflag:$0x6], $0x2000, $0x38;
	[tilespmem:$0xB900] =	vst v63  }
0x30: {  	_ =	swait.ge [sflag:s11], $0x2000  }
0x31: {  	[sflag:s11] =	ssyncset.done $0x0  }
0x32: {  	s4 =	sadd.s32 @!p0 $0x300, s15;
	s17 =	simm.s32 @!p0 $0x3900;
	[sflag:s11] =	ssyncadd.s32 $0xFFFFE000  }
0x33: {  	[tilespmem:s17], [sflag:$0x2] =	stream.indirect.gather @!p0 [hbm4b:s3+s19], $0x40, s4, s19, $0xb8;
	[tilespmem:$0xB900] =	vst v63  }
0x34: {  	_ =	swait.ge [sflag:s23], $0x2000  }
0x35: {  	[sflag:s23] =	ssyncset.done $0x0  }
0x36: {  	[sflag:s23] =	ssyncadd.s32 $0xFFFFE000  }
0x37: {  	[hbm4b:s30+s2] =	stream.linear.scatter [tilespmem:s16], [sflag:$0x6], $0x2000, $0x38;
	[tilespmem:$0xB900] =	vst v63  }
0x38: {  	_ =	swait.ge [sflag:s11], $0x2000  }
0x39: {  	[sflag:s11] =	ssyncset.done $0x0  }
0x3a: {  	s4 =	sadd.s32 @!p0 $0x380, s15;
	s17 =	simm.s32 @!p0 $0x5900;
	[sflag:s11] =	ssyncadd.s32 $0xFFFFE000  }
0x3b: {  	[tilespmem:s17], [sflag:$0x3] =	stream.indirect.gather @!p0 [hbm4b:s3+s19], $0x40, s4, s19, $0xb8;
	[tilespmem:$0xB900] =	vst v63  }
0x3c: {  	_ =	swait.ge [sflag:s24], $0x2000  }
0x3d: {  	[sflag:s24] =	ssyncset.done $0x0  }
0x3e: {  	[sflag:s24] =	ssyncadd.s32 $0xFFFFE000  }
0x3f: {  	[hbm4b:s31+s2] =	stream.linear.scatter [tilespmem:s18], [sflag:$0x6], $0x2000, $0x38;
	[tilespmem:$0xB900] =	vst v63  }
0x40: {  	_ =	swait.ge [sflag:s11], $0x2000  }
0x41: {  	[sflag:s11] =	ssyncset.done $0x0  }
0x42: {  	s4 =	sadd.s32 @!p0 $0x400, s15;
	s15 =	simm.s32 @!p0 $0x7900;
	[sflag:s11] =	ssyncadd.s32 $0xFFFFE000  }
0x43: {  	[tilespmem:s15], [sflag:$0x4] =	stream.indirect.gather @!p0 [hbm4b:s3+s19], $0x40, s4, s19, $0xb8;
	[tilespmem:$0xB900] =	vst v63  }
0x44: {  	_ =	swait.ge [sflag:s25], $0x2000  }
0x45: {  	[sflag:s25] =	ssyncset.done $0x0  }
.Ltmp2:
0x46: {  	[sflag:s25] =	ssyncadd.s32 $0xFFFFE000;
	(pc) =	sbr.rel @p0 .LBB2_4-.Ltmp2, $4  }
0x47: {  	[hbm4b:s6+s2] =	stream.linear.scatter [tilespmem:s20], [sflag:$0x6], $0x2000, $0x38;
	[tilespmem:$0xB900] =	vst v63  }
0x48: {  	_ =	swait.ge [sflag:s11], $0x2000  }
0x49: {  	[sflag:s11] =	ssyncset.done $0x0  }
0x4a: {  	[sflag:s11] =	ssyncadd.s32 $0xFFFFE000  }
.Ltmp3:
0x4b: {  	(pc) =	sbr.rel .LBB2_2-.Ltmp3, $4  }
0x4c: {  	s4 =	sshra.s32 s1, $0x2;
	s1 =	sadd.s32 $0xA00, s1  }
0x4d: {  	s6 =	sadd.s32 $0x1400, s6;
	s31 =	sadd.s32 $0x1400, s31;
	s30 =	sadd.s32 $0x1400, s30  }
0x4e: {  	s29 =	sadd.s32 $0x1400, s29;
	s28 =	sadd.s32 $0x1400, s28;
	s4 =	sadd.s32 $0x480, s4  }
0x4f: {  	[tilespmem:s20], [sflag:$0x5] =	stream.indirect.gather [hbm4b:s3+s12], $0x40, s4, s12, $0xb8;
	[tilespmem:$0xB900] =	vst v63  }
.LBB2_5:
0x50: {  	_ =	sfence.sel $0x180000  }
0x51: {  	[bflag:$0x0] =	sbarrier.arrive $0xFFFF  }
0x52: {  	_ =	strace $0x90000047  }
0x53: {  	s0 =	stileid.u32;
	[bflag:$0x2] =	sbarrier.arrive $0xFFFF  }
0x54: {  	p0 =	sne.s32 s0, $0x0;
	s0 =	rddreg [dreg:$0x2]  }
0x55: {  	s0 =	sadd.s32 @!p0 $0x100000, s0  }
0x56: {  	[sflag:s0] =	ssyncadd.tile.s32 @!p0 $0x1;
	_ =	shalt  }
.Lfunc_end2:
_tile_overlayer_lowered:
.L_overlay_start_2:
0x57: {  	(tag) =	ssettag $0x2  }
0x58: {  	s0 =	rddreg [dreg:$0x0];
	s2 =	stileid.u32  }
0x59: {  	s1 =	rddreg [dreg:$0x1];
	p0 =	sne.s32 s2, $0x0  }
0x5a: {  	s3 =	rddreg [dreg:$0x2];
	[bflag:$0x3] =	sbarrier.arrive $0xFFFF;
	s2 =	simm.s32 @!p0 $0x1C06  }
0x5b: {  	[timem:s3], [sflag:s2] =	dma.local @!p0 [hbm:s0], s1  }
0x5c: {  	s0 =	simm.s32 @!p0 $0x6  }
0x5d: {  	_ =	swait.ge @!p0 [sflag:s0], s1  }
0x5e: {  	s1 =	ssub.s32 @!p0 $0x0, s1;
	[sflag:s0] =	ssyncset.done @!p0 $0x0  }
0x5f: {  	[sflag:s0] =	ssyncadd.s32 @!p0 s1  }
0x60: {  	[bflag:$0x3] =	sbarrier.arrive $0xFFFF  }
0x61: {  	_ =	shalt  }

</sc_bundles>
